<compile_context>
chip_gen: v7x
topology: tpu7x:2x2x1
jax: 0.10.2.dev20260603
libtpu: 0.0.44.dev20260713+nightly
codegen_flags: <defaults>
</compile_context>

<pallas_src>
import functools

import jax
import jax.numpy as jnp
from jax import lax
from jax.experimental import pallas as pl
from jax.experimental.pallas import tpu as pltpu
from jax.experimental.pallas import tpu_sc as plsc

_HIDDEN = 8192
_LANES = 16
_NW = 32
_G = 2


def _combo_table(type_table, juris_table):
    n_types, hidden = type_table.shape
    n_juris = juris_table.shape[0]

    def body(t_ref, j_ref, o_ref):
        o_ref[...] = t_ref[...][None] + j_ref[...]

    out = pl.pallas_call(
        body,
        grid=(n_juris,),
        in_specs=[
            pl.BlockSpec((n_types, hidden), lambda j: (0, 0)),
            pl.BlockSpec((1, 1, hidden), lambda j: (j, 0, 0)),
        ],
        out_specs=pl.BlockSpec((1, n_types, hidden), lambda j: (j, 0, 0)),
        out_shape=jax.ShapeDtypeStruct((n_juris, n_types, hidden),
                                       jnp.float32),
    )(type_table, juris_table.reshape(n_juris, 1, hidden))
    return out.reshape(n_juris * n_types, hidden)


_NBUF = 2
_UNROLL = 8


def _make_sc_lookup(n_b, n_l):
    n_tokens = n_b * n_l
    wb = n_b // _NW
    bgroups = wb // _G
    groups = n_tokens // (_NW * _G)
    mesh = plsc.VectorSubcoreMesh(core_axis_name="c", subcore_axis_name="s")
    nc = mesh.num_cores

    @functools.partial(
        pl.kernel,
        mesh=mesh,
        out_type=jax.ShapeDtypeStruct((n_l, n_b, _HIDDEN), jnp.float32),
        scratch_types=[
            pltpu.VMEM((groups // 2, 32), jnp.int32),
            [pltpu.VMEM((_G, _HIDDEN), jnp.float32)] * _NBUF,
            [pltpu.VMEM((_G, _HIDDEN), jnp.float32)] * _NBUF,
            [pltpu.VMEM((_G, _HIDDEN), jnp.float32)] * _NBUF,
            [pltpu.SemaphoreType.DMA] * _NBUF,
            [pltpu.SemaphoreType.DMA] * _NBUF,
            [pltpu.SemaphoreType.DMA] * _NBUF,
        ],
    )
    def lookup(ent_hbm, combo_hbm, ids_hbm, out_hbm,
               idx_v, ebufs, cbufs, obufs, esems, csems, osems):
        wid = lax.axis_index("s") * nc + lax.axis_index("c")
        base_b = wid * wb
        pltpu.sync_copy(ids_hbm.at[wid], idx_v)

        def out_dst(g):
            li = g // bgroups
            bi = base_b + (g - li * bgroups) * _G
            return out_hbm.at[li, pl.ds(bi, _G)]

        def eslice(g):
            off = pl.multiple_of((g % 2) * 16, 8)
            return idx_v.at[g // 2, pl.ds(off, _G)]

        def cslice(g):
            off = pl.multiple_of((g % 2) * 16 + 8, 8)
            return idx_v.at[g // 2, pl.ds(off, _G)]

        def gather_pair(g, b):
            pltpu.async_copy(ent_hbm.at[eslice(g)], ebufs[b], esems[b])
            pltpu.async_copy(combo_hbm.at[cslice(g)], cbufs[b], csems[b])

        def wait_pair(g, b):
            pltpu.make_async_copy(
                ent_hbm.at[eslice(g)], ebufs[b], esems[b]).wait()
            pltpu.make_async_copy(
                combo_hbm.at[cslice(g)], cbufs[b], csems[b]).wait()

        for b in range(_NBUF):
            gather_pair(b, b)

        def step(it, carry):
            for b in range(_NBUF):
                g = it * _NBUF + b
                wait_pair(g, b)

                @pl.when(it >= 1)
                def _drain(g=g, b=b):
                    pltpu.make_async_copy(
                        obufs[b], out_dst(g - _NBUF), osems[b]).wait()

                eb, cb, ob = ebufs[b], cbufs[b], obufs[b]
                for r in range(_G):
                    def add_body(i, c2, r=r, eb=eb, cb=cb, ob=ob):
                        for u in range(_UNROLL):
                            off = i * (_UNROLL * _LANES) + u * _LANES
                            ob[r, pl.ds(off, _LANES)] = (
                                eb[r, pl.ds(off, _LANES)]
                                + cb[r, pl.ds(off, _LANES)])
                        return c2
                    lax.fori_loop(0, _HIDDEN // (_UNROLL * _LANES),
                                  add_body, 0)

                @pl.when(g + _NBUF < groups)
                def _issue(g=g, b=b):
                    gather_pair(g + _NBUF, b)
                pltpu.async_copy(ob, out_dst(g), osems[b])
            return carry

        lax.fori_loop(0, groups // _NBUF, step, 0)
        for b in range(_NBUF):
            pltpu.make_async_copy(
                obufs[b], out_dst(groups - _NBUF + b), osems[b]).wait()

    return lookup


def kernel(entity_ids, entity_types, jurisdictions, entity_table,
           type_table, juris_table):
    b, l = entity_ids.shape
    n_tokens = b * l
    n_juris = juris_table.shape[0]
    wb = b // _NW
    groups = n_tokens // (_NW * _G)

    def order(a):
        return (a.astype(jnp.int32).reshape(_NW, wb, l)
                .transpose(0, 2, 1).reshape(_NW, groups, _G))

    eids = order(entity_ids)
    cids = order(jurisdictions * type_table.shape[0] + entity_types)
    zpad = jnp.zeros((_NW, groups, 8 - _G), jnp.int32)
    ids = (jnp.concatenate([eids, zpad, cids, zpad], axis=2)
           .reshape(_NW, groups // 2, 32))

    combo = _combo_table(type_table, juris_table)
    out_lm = _make_sc_lookup(b, l)(entity_table, combo, ids)
    return jnp.transpose(out_lm, (1, 0, 2))

# --- scband reference (transcript-rebuilt; emitter-appended) ---
"""Pipeline reference for scband-legal-entity-embedding-9311489098103 (READ-ONLY COPY).

The authoritative reference and input builder live on the scoring server;
editing this copy changes nothing except your own understanding.
"""

import jax, jax.numpy as jnp
import numpy as np

ENTITY_VOCAB = 50000
N_TYPES = 10
N_JURIS = 5
HIDDEN = 8192
B, L = 1024, 20


def setup_inputs(seed: int = 0) -> dict:
    key = jax.random.key(seed)
    k1, k2, k3, k4, k5, k6 = jax.random.split(key, 6)
    entity_ids = jax.random.randint(k1, (B, L), 0, ENTITY_VOCAB, dtype=jnp.int64 if jax.config.jax_enable_x64 else jnp.int32)
    entity_types = jax.random.randint(k2, (B, L), 0, N_TYPES, dtype=jnp.int64 if jax.config.jax_enable_x64 else jnp.int32)
    jurisdictions = jax.random.randint(k3, (B, L), 0, N_JURIS, dtype=jnp.int64 if jax.config.jax_enable_x64 else jnp.int32)
    # learned parameters (nn.Embedding default init ~ N(0,1))
    entity_table = jax.random.normal(k4, (ENTITY_VOCAB, HIDDEN), dtype=jnp.float32)
    type_table = jax.random.normal(k5, (N_TYPES, HIDDEN), dtype=jnp.float32)
    juris_table = jax.random.normal(k6, (N_JURIS, HIDDEN), dtype=jnp.float32)
    return {
        "entity_ids": entity_ids,
        "entity_types": entity_types,
        "jurisdictions": jurisdictions,
        "entity_table": entity_table,
        "type_table": type_table,
        "juris_table": juris_table,
    }


def reference(entity_ids, entity_types, jurisdictions, entity_table, type_table, juris_table):
    entity_emb = jnp.take(entity_table, entity_ids, axis=0)
    type_emb = jnp.take(type_table, entity_types, axis=0)
    jurisdiction_emb = jnp.take(juris_table, jurisdictions, axis=0)
    return entity_emb + type_emb + jurisdiction_emb

if __name__ == "__main__":
    import jax
    _d = setup_inputs()
    print(jax.jit(kernel)(*tuple(_d.values())))

</pallas_src>

<mosaic_0001>
#map = affine_map<(d0, d1) -> (0, 0)>
#map1 = affine_map<(d0, d1) -> (0, 0, 0)>
module attributes {stable_mosaic.version = 14 : i64} {
  func.func @lookup(%arg0: i32, %arg1: i32, %arg2: memref<50000x8192xf32, #tpu.memory_space<hbm>>, %arg3: memref<50x8192xf32, #tpu.memory_space<hbm>>, %arg4: memref<32x160x32xi32, #tpu.memory_space<hbm>>, %arg5: memref<20x1024x8192xf32, #tpu.memory_space<hbm>>, %arg6: memref<160x32xi32, #tpu.memory_space<vmem>>, %arg7: memref<2x8192xf32, #tpu.memory_space<vmem>>, %arg8: memref<2x8192xf32, #tpu.memory_space<vmem>>, %arg9: memref<2x8192xf32, #tpu.memory_space<vmem>>, %arg10: memref<2x8192xf32, #tpu.memory_space<vmem>>, %arg11: memref<2x8192xf32, #tpu.memory_space<vmem>>, %arg12: memref<2x8192xf32, #tpu.memory_space<vmem>>, %arg13: memref<!tpu.dma_semaphore, #tpu.memory_space<semaphore_mem>>, %arg14: memref<!tpu.dma_semaphore, #tpu.memory_space<semaphore_mem>>, %arg15: memref<!tpu.dma_semaphore, #tpu.memory_space<semaphore_mem>>, %arg16: memref<!tpu.dma_semaphore, #tpu.memory_space<semaphore_mem>>, %arg17: memref<!tpu.dma_semaphore, #tpu.memory_space<semaphore_mem>>, %arg18: memref<!tpu.dma_semaphore, #tpu.memory_space<semaphore_mem>>) attributes {dimension_semantics = [#tpu.dimension_semantics<core_parallel>, #tpu.dimension_semantics<subcore_parallel>], iteration_bounds = array<i64: 2, 16>, scalar_prefetch = 0 : i64, scratch_operands = 13 : i64, tpu.core_type = #tpu.core_type<sc_vector_subcore>, window_params = [{transform_indices = #map}, {transform_indices = #map}, {transform_indices = #map1}, {transform_indices = #map1}]} {
    %mul3A = arith.constant 2 : i32
    %mul3A_0 = arith.muli %arg1, %mul3A : i32
    %add3A = arith.addi %mul3A_0, %arg0 : i32
    %mul3A_1 = arith.constant 32 : i32
    %mul3A_2 = arith.muli %add3A, %mul3A_1 : i32
    "tpu.region"() ({
      %run_scoped3A = tpu.sem_alloc : memref<!tpu.dma_semaphore, #tpu.memory_space<semaphore_mem>>
      %dma_start3A_55 = arith.constant 0 : i32
      %dma_start3A_56 = arith.constant 0 : i32
      %dma_start3A_57 = tpu.memref_slice %arg4[%add3A, %dma_start3A_55, %dma_start3A_56] : memref<32x160x32xi32, #tpu.memory_space<hbm>> -> memref<1x160x32xi32, #tpu.memory_space<hbm>>
      %dma_start3A_58 = tpu.memref_squeeze %dma_start3A_57 : memref<1x160x32xi32, #tpu.memory_space<hbm>> -> memref<160x32xi32, #tpu.memory_space<hbm>>
      %dma_start3A_59 = arith.constant 0 : i32
      %dma_start3A_60 = arith.constant 0 : i32
      %dma_start3A_61 = tpu.memref_slice %arg4[%add3A, %dma_start3A_59, %dma_start3A_60] : memref<32x160x32xi32, #tpu.memory_space<hbm>> -> memref<1x160x32xi32, #tpu.memory_space<hbm>>
      %dma_start3A_62 = tpu.memref_squeeze %dma_start3A_61 : memref<1x160x32xi32, #tpu.memory_space<hbm>> -> memref<160x32xi32, #tpu.memory_space<hbm>>
      tpu.enqueue_dma source(%dma_start3A_62 : memref<160x32xi32, #tpu.memory_space<hbm>>) target(%arg6 : memref<160x32xi32, #tpu.memory_space<vmem>>) target_semaphore(%run_scoped3A : memref<!tpu.dma_semaphore, #tpu.memory_space<semaphore_mem>>)
      %dma_wait3A_63 = arith.constant 0 : i32
      %dma_wait3A_64 = arith.constant 0 : i32
      %dma_wait3A_65 = tpu.memref_slice %arg4[%add3A, %dma_wait3A_63, %dma_wait3A_64] : memref<32x160x32xi32, #tpu.memory_space<hbm>> -> memref<1x160x32xi32, #tpu.memory_space<hbm>>
      %dma_wait3A_66 = tpu.memref_squeeze %dma_wait3A_65 : memref<1x160x32xi32, #tpu.memory_space<hbm>> -> memref<160x32xi32, #tpu.memory_space<hbm>>
      %dma_wait3A_67 = arith.constant 0 : i32
      %dma_wait3A_68 = arith.constant 0 : i32
      %dma_wait3A_69 = tpu.memref_slice %arg4[%add3A, %dma_wait3A_67, %dma_wait3A_68] : memref<32x160x32xi32, #tpu.memory_space<hbm>> -> memref<1x160x32xi32, #tpu.memory_space<hbm>>
      %dma_wait3A_70 = tpu.memref_squeeze %dma_wait3A_69 : memref<1x160x32xi32, #tpu.memory_space<hbm>> -> memref<160x32xi32, #tpu.memory_space<hbm>>
      tpu.wait_dma2 semaphore(%run_scoped3A : memref<!tpu.dma_semaphore, #tpu.memory_space<semaphore_mem>>) src(%dma_wait3A_70 : memref<160x32xi32, #tpu.memory_space<hbm>>) dst(%arg6 : memref<160x32xi32, #tpu.memory_space<vmem>>)
      tpu.yield
    }) : () -> ()
    %multiple_of3A = arith.constant 0 : i32
    %multiple_of3A_3 = tpu.assume_multiple %multiple_of3A, 8 : i32
    %dma_start3A = arith.constant 0 : i32
    %dma_start3A_4 = tpu.memref_slice %arg6[%dma_start3A, %multiple_of3A_3] : memref<160x32xi32, #tpu.memory_space<vmem>> -> memref<1x2xi32, #tpu.memory_space<vmem>>
    %dma_start3A_5 = tpu.memref_squeeze %dma_start3A_4 : memref<1x2xi32, #tpu.memory_space<vmem>> -> memref<2xi32, #tpu.memory_space<vmem>>
    %dma_start3A_6 = arith.constant 0 : i32
    %dma_start3A_7 = arith.constant 0 : i32
    %dma_start3A_8 = tpu.memref_slice %arg2[%dma_start3A_6, %dma_start3A_7] : memref<50000x8192xf32, #tpu.memory_space<hbm>> -> memref<50000x8192xf32, #tpu.memory_space<hbm>>
    tpu.enqueue_indirect_dma source(%dma_start3A_8 : memref<50000x8192xf32, #tpu.memory_space<hbm>>) target(%arg7 : memref<2x8192xf32, #tpu.memory_space<vmem>>) offsets(%dma_start3A_5 : memref<2xi32, #tpu.memory_space<vmem>>) semaphore(%arg13 : memref<!tpu.dma_semaphore, #tpu.memory_space<semaphore_mem>>)
    %multiple_of3A_9 = arith.constant 8 : i32
    %multiple_of3A_10 = tpu.assume_multiple %multiple_of3A_9, 8 : i32
    %dma_start3A_11 = arith.constant 0 : i32
    %dma_start3A_12 = tpu.memref_slice %arg6[%dma_start3A_11, %multiple_of3A_10] : memref<160x32xi32, #tpu.memory_space<vmem>> -> memref<1x2xi32, #tpu.memory_space<vmem>>
    %dma_start3A_13 = tpu.memref_squeeze %dma_start3A_12 : memref<1x2xi32, #tpu.memory_space<vmem>> -> memref<2xi32, #tpu.memory_space<vmem>>
    %dma_start3A_14 = arith.constant 0 : i32
    %dma_start3A_15 = arith.constant 0 : i32
    %dma_start3A_16 = tpu.memref_slice %arg3[%dma_start3A_14, %dma_start3A_15] : memref<50x8192xf32, #tpu.memory_space<hbm>> -> memref<50x8192xf32, #tpu.memory_space<hbm>>
    tpu.enqueue_indirect_dma source(%dma_start3A_16 : memref<50x8192xf32, #tpu.memory_space<hbm>>) target(%arg9 : memref<2x8192xf32, #tpu.memory_space<vmem>>) offsets(%dma_start3A_13 : memref<2xi32, #tpu.memory_space<vmem>>) semaphore(%arg15 : memref<!tpu.dma_semaphore, #tpu.memory_space<semaphore_mem>>)
    %multiple_of3A_17 = arith.constant 16 : i32
    %multiple_of3A_18 = tpu.assume_multiple %multiple_of3A_17, 8 : i32
    %dma_start3A_19 = arith.constant 0 : i32
    %dma_start3A_20 = tpu.memref_slice %arg6[%dma_start3A_19, %multiple_of3A_18] : memref<160x32xi32, #tpu.memory_space<vmem>> -> memref<1x2xi32, #tpu.memory_space<vmem>>
    %dma_start3A_21 = tpu.memref_squeeze %dma_start3A_20 : memref<1x2xi32, #tpu.memory_space<vmem>> -> memref<2xi32, #tpu.memory_space<vmem>>
    %dma_start3A_22 = arith.constant 0 : i32
    %dma_start3A_23 = arith.constant 0 : i32
    %dma_start3A_24 = tpu.memref_slice %arg2[%dma_start3A_22, %dma_start3A_23] : memref<50000x8192xf32, #tpu.memory_space<hbm>> -> memref<50000x8192xf32, #tpu.memory_space<hbm>>
    tpu.enqueue_indirect_dma source(%dma_start3A_24 : memref<50000x8192xf32, #tpu.memory_space<hbm>>) target(%arg8 : memref<2x8192xf32, #tpu.memory_space<vmem>>) offsets(%dma_start3A_21 : memref<2xi32, #tpu.memory_space<vmem>>) semaphore(%arg14 : memref<!tpu.dma_semaphore, #tpu.memory_space<semaphore_mem>>)
    %multiple_of3A_25 = arith.constant 24 : i32
    %multiple_of3A_26 = tpu.assume_multiple %multiple_of3A_25, 8 : i32
    %dma_start3A_27 = arith.constant 0 : i32
    %dma_start3A_28 = tpu.memref_slice %arg6[%dma_start3A_27, %multiple_of3A_26] : memref<160x32xi32, #tpu.memory_space<vmem>> -> memref<1x2xi32, #tpu.memory_space<vmem>>
    %dma_start3A_29 = tpu.memref_squeeze %dma_start3A_28 : memref<1x2xi32, #tpu.memory_space<vmem>> -> memref<2xi32, #tpu.memory_space<vmem>>
    %dma_start3A_30 = arith.constant 0 : i32
    %dma_start3A_31 = arith.constant 0 : i32
    %dma_start3A_32 = tpu.memref_slice %arg3[%dma_start3A_30, %dma_start3A_31] : memref<50x8192xf32, #tpu.memory_space<hbm>> -> memref<50x8192xf32, #tpu.memory_space<hbm>>
    tpu.enqueue_indirect_dma source(%dma_start3A_32 : memref<50x8192xf32, #tpu.memory_space<hbm>>) target(%arg10 : memref<2x8192xf32, #tpu.memory_space<vmem>>) offsets(%dma_start3A_29 : memref<2xi32, #tpu.memory_space<vmem>>) semaphore(%arg16 : memref<!tpu.dma_semaphore, #tpu.memory_space<semaphore_mem>>)
    %scan3A = arith.constant 0 : i32
    %scan3A_33 = arith.constant 0 : i32
    %scan3A_34 = arith.constant 160 : i32
    %scan3A_35 = arith.addi %scan3A_33, %scan3A_34 : i32
    %scan3A_36 = arith.constant 1 : i32
    scf.for %scan3A_55 = %scan3A_33 to %scan3A_35 step %scan3A_36  : i32 {
      %mul3A_56 = arith.constant 2 : i32
      %mul3A_57 = arith.muli %scan3A_55, %mul3A_56 : i32
      %add3A_58 = arith.constant 0 : i32
      %add3A_59 = arith.addi %mul3A_57, %add3A_58 : i32
      %jit3A = arith.constant 2 : i32
      %eq3A = arith.constant 0 : i32
      %eq3A_60 = arith.cmpi eq, %jit3A, %eq3A : i32
      %jit3A_61 = arith.constant 1 : i32
      %select_n3A = arith.select %eq3A_60, %jit3A_61, %jit3A : i32
      %rem3A = arith.remsi %add3A_59, %select_n3A : i32
      %ne3A = arith.constant 0 : i32
      %ne3A_62 = arith.cmpi ne, %rem3A, %ne3A : i32
      %lt3A = arith.constant 0 : i32
      %lt3A_63 = arith.cmpi slt, %rem3A, %lt3A : i32
      %lt3A_64 = arith.constant 0 : i32
      %lt3A_65 = arith.cmpi slt, %select_n3A, %lt3A_64 : i32
      %ne3A_66 = arith.xori %lt3A_63, %lt3A_65 : i1
      %and3A = arith.andi %ne3A_66, %ne3A_62 : i1
      %add3A_67 = arith.addi %rem3A, %select_n3A : i32
      %select_n3A_68 = arith.select %and3A, %add3A_67, %rem3A : i32
      %mul3A_69 = arith.constant 16 : i32
      %mul3A_70 = arith.muli %select_n3A_68, %mul3A_69 : i32
      %multiple_of3A_71 = tpu.assume_multiple %mul3A_70, 8 : i32
      %jit3A_72 = arith.constant 2 : i32
      %div3A = arith.divsi %add3A_59, %jit3A_72 : i32
      %sign3A = arith.constant 0 : i32
      %sign3A_73 = arith.cmpi sgt, %add3A_59, %sign3A : i32
      %sign3A_74 = arith.extui %sign3A_73 : i1 to i32
      %sign3A_75 = arith.constant 0 : i32
      %sign3A_76 = arith.cmpi slt, %add3A_59, %sign3A_75 : i32
      %sign3A_77 = arith.extui %sign3A_76 : i1 to i32
      %sign3A_78 = arith.subi %sign3A_74, %sign3A_77 : i32
      %sign3A_79 = arith.constant 0 : i32
      %sign3A_80 = arith.cmpi sgt, %jit3A_72, %sign3A_79 : i32
      %sign3A_81 = arith.extui %sign3A_80 : i1 to i32
      %sign3A_82 = arith.constant 0 : i32
      %sign3A_83 = arith.cmpi slt, %jit3A_72, %sign3A_82 : i32
      %sign3A_84 = arith.extui %sign3A_83 : i1 to i32
      %sign3A_85 = arith.subi %sign3A_81, %sign3A_84 : i32
      %ne3A_86 = arith.cmpi ne, %sign3A_78, %sign3A_85 : i32
      %rem3A_87 = arith.remsi %add3A_59, %jit3A_72 : i32
      %ne3A_88 = arith.constant 0 : i32
      %ne3A_89 = arith.cmpi ne, %rem3A_87, %ne3A_88 : i32
      %and3A_90 = arith.andi %ne3A_86, %ne3A_89 : i1
      %sub3A = arith.constant 1 : i32
      %sub3A_91 = arith.subi %div3A, %sub3A : i32
      %select_n3A_92 = arith.select %and3A_90, %sub3A_91, %div3A : i32
      %dma_wait3A_93 = tpu.memref_slice %arg6[%select_n3A_92, %multiple_of3A_71] : memref<160x32xi32, #tpu.memory_space<vmem>> -> memref<1x2xi32, #tpu.memory_space<vmem>>
      %dma_wait3A_94 = tpu.memref_squeeze %dma_wait3A_93 : memref<1x2xi32, #tpu.memory_space<vmem>> -> memref<2xi32, #tpu.memory_space<vmem>>
      %dma_wait3A_95 = arith.constant 0 : i32
      %dma_wait3A_96 = arith.constant 0 : i32
      %dma_wait3A_97 = tpu.memref_slice %arg2[%dma_wait3A_95, %dma_wait3A_96] : memref<50000x8192xf32, #tpu.memory_space<hbm>> -> memref<50000x8192xf32, #tpu.memory_space<hbm>>
      tpu.wait_indirect_dma semaphore(%arg13 : memref<!tpu.dma_semaphore, #tpu.memory_space<semaphore_mem>>) src(%dma_wait3A_97 : memref<50000x8192xf32, #tpu.memory_space<hbm>>) dst(%arg7 : memref<2x8192xf32, #tpu.memory_space<vmem>>)
      %jit3A_98 = arith.constant 2 : i32
      %eq3A_99 = arith.constant 0 : i32
      %eq3A_100 = arith.cmpi eq, %jit3A_98, %eq3A_99 : i32
      %jit3A_101 = arith.constant 1 : i32
      %select_n3A_102 = arith.select %eq3A_100, %jit3A_101, %jit3A_98 : i32
      %rem3A_103 = arith.remsi %add3A_59, %select_n3A_102 : i32
      %ne3A_104 = arith.constant 0 : i32
      %ne3A_105 = arith.cmpi ne, %rem3A_103, %ne3A_104 : i32
      %lt3A_106 = arith.constant 0 : i32
      %lt3A_107 = arith.cmpi slt, %rem3A_103, %lt3A_106 : i32
      %lt3A_108 = arith.constant 0 : i32
      %lt3A_109 = arith.cmpi slt, %select_n3A_102, %lt3A_108 : i32
      %ne3A_110 = arith.xori %lt3A_107, %lt3A_109 : i1
      %and3A_111 = arith.andi %ne3A_110, %ne3A_105 : i1
      %add3A_112 = arith.addi %rem3A_103, %select_n3A_102 : i32
      %select_n3A_113 = arith.select %and3A_111, %add3A_112, %rem3A_103 : i32
      %mul3A_114 = arith.constant 16 : i32
      %mul3A_115 = arith.muli %select_n3A_113, %mul3A_114 : i32
      %add3A_116 = arith.constant 8 : i32
      %add3A_117 = arith.addi %mul3A_115, %add3A_116 : i32
      %multiple_of3A_118 = tpu.assume_multiple %add3A_117, 8 : i32
      %jit3A_119 = arith.constant 2 : i32
      %div3A_120 = arith.divsi %add3A_59, %jit3A_119 : i32
      %sign3A_121 = arith.constant 0 : i32
      %sign3A_122 = arith.cmpi sgt, %add3A_59, %sign3A_121 : i32
      %sign3A_123 = arith.extui %sign3A_122 : i1 to i32
      %sign3A_124 = arith.constant 0 : i32
      %sign3A_125 = arith.cmpi slt, %add3A_59, %sign3A_124 : i32
      %sign3A_126 = arith.extui %sign3A_125 : i1 to i32
      %sign3A_127 = arith.subi %sign3A_123, %sign3A_126 : i32
      %sign3A_128 = arith.constant 0 : i32
      %sign3A_129 = arith.cmpi sgt, %jit3A_119, %sign3A_128 : i32
      %sign3A_130 = arith.extui %sign3A_129 : i1 to i32
      %sign3A_131 = arith.constant 0 : i32
      %sign3A_132 = arith.cmpi slt, %jit3A_119, %sign3A_131 : i32
      %sign3A_133 = arith.extui %sign3A_132 : i1 to i32
      %sign3A_134 = arith.subi %sign3A_130, %sign3A_133 : i32
      %ne3A_135 = arith.cmpi ne, %sign3A_127, %sign3A_134 : i32
      %rem3A_136 = arith.remsi %add3A_59, %jit3A_119 : i32
      %ne3A_137 = arith.constant 0 : i32
      %ne3A_138 = arith.cmpi ne, %rem3A_136, %ne3A_137 : i32
      %and3A_139 = arith.andi %ne3A_135, %ne3A_138 : i1
      %sub3A_140 = arith.constant 1 : i32
      %sub3A_141 = arith.subi %div3A_120, %sub3A_140 : i32
      %select_n3A_142 = arith.select %and3A_139, %sub3A_141, %div3A_120 : i32
      %dma_wait3A_143 = tpu.memref_slice %arg6[%select_n3A_142, %multiple_of3A_118] : memref<160x32xi32, #tpu.memory_space<vmem>> -> memref<1x2xi32, #tpu.memory_space<vmem>>
      %dma_wait3A_144 = tpu.memref_squeeze %dma_wait3A_143 : memref<1x2xi32, #tpu.memory_space<vmem>> -> memref<2xi32, #tpu.memory_space<vmem>>
      %dma_wait3A_145 = arith.constant 0 : i32
      %dma_wait3A_146 = arith.constant 0 : i32
      %dma_wait3A_147 = tpu.memref_slice %arg3[%dma_wait3A_145, %dma_wait3A_146] : memref<50x8192xf32, #tpu.memory_space<hbm>> -> memref<50x8192xf32, #tpu.memory_space<hbm>>
      tpu.wait_indirect_dma semaphore(%arg15 : memref<!tpu.dma_semaphore, #tpu.memory_space<semaphore_mem>>) src(%dma_wait3A_147 : memref<50x8192xf32, #tpu.memory_space<hbm>>) dst(%arg9 : memref<2x8192xf32, #tpu.memory_space<vmem>>)
      %ge3A = arith.constant 1 : i32
      %ge3A_148 = arith.cmpi sge, %scan3A_55, %ge3A : i32
      %convert_element_type3A = arith.extui %ge3A_148 : i1 to i32
      %cond3A = arith.constant 0 : i32
      %cond3A_149 = arith.cmpi ne, %convert_element_type3A, %cond3A : i32
      scf.if %cond3A_149 {
        %sub3A_367 = arith.constant 2 : i32
        %sub3A_368 = arith.subi %add3A_59, %sub3A_367 : i32
        %jit3A_369 = arith.constant 16 : i32
        %div3A_370 = arith.divsi %sub3A_368, %jit3A_369 : i32
        %sign3A_371 = arith.constant 0 : i32
        %sign3A_372 = arith.cmpi sgt, %sub3A_368, %sign3A_371 : i32
        %sign3A_373 = arith.extui %sign3A_372 : i1 to i32
        %sign3A_374 = arith.constant 0 : i32
        %sign3A_375 = arith.cmpi slt, %sub3A_368, %sign3A_374 : i32
        %sign3A_376 = arith.extui %sign3A_375 : i1 to i32
        %sign3A_377 = arith.subi %sign3A_373, %sign3A_376 : i32
        %sign3A_378 = arith.constant 0 : i32
        %sign3A_379 = arith.cmpi sgt, %jit3A_369, %sign3A_378 : i32
        %sign3A_380 = arith.extui %sign3A_379 : i1 to i32
        %sign3A_381 = arith.constant 0 : i32
        %sign3A_382 = arith.cmpi slt, %jit3A_369, %sign3A_381 : i32
        %sign3A_383 = arith.extui %sign3A_382 : i1 to i32
        %sign3A_384 = arith.subi %sign3A_380, %sign3A_383 : i32
        %ne3A_385 = arith.cmpi ne, %sign3A_377, %sign3A_384 : i32
        %rem3A_386 = arith.remsi %sub3A_368, %jit3A_369 : i32
        %ne3A_387 = arith.constant 0 : i32
        %ne3A_388 = arith.cmpi ne, %rem3A_386, %ne3A_387 : i32
        %and3A_389 = arith.andi %ne3A_385, %ne3A_388 : i1
        %sub3A_390 = arith.constant 1 : i32
        %sub3A_391 = arith.subi %div3A_370, %sub3A_390 : i32
        %select_n3A_392 = arith.select %and3A_389, %sub3A_391, %div3A_370 : i32
        %mul3A_393 = arith.constant 16 : i32
        %mul3A_394 = arith.muli %select_n3A_392, %mul3A_393 : i32
        %sub3A_395 = arith.subi %sub3A_368, %mul3A_394 : i32
        %mul3A_396 = arith.constant 2 : i32
        %mul3A_397 = arith.muli %sub3A_395, %mul3A_396 : i32
        %add3A_398 = arith.addi %mul3A_2, %mul3A_397 : i32
        %dma_wait3A_399 = arith.constant 0 : i32
        %dma_wait3A_400 = tpu.memref_slice %arg5[%select_n3A_392, %add3A_398, %dma_wait3A_399] : memref<20x1024x8192xf32, #tpu.memory_space<hbm>> -> memref<1x2x8192xf32, #tpu.memory_space<hbm>>
        %dma_wait3A_401 = tpu.memref_squeeze %dma_wait3A_400 : memref<1x2x8192xf32, #tpu.memory_space<hbm>> -> memref<2x8192xf32, #tpu.memory_space<hbm>>
        %dma_wait3A_402 = arith.constant 0 : i32
        %dma_wait3A_403 = tpu.memref_slice %arg5[%select_n3A_392, %add3A_398, %dma_wait3A_402] : memref<20x1024x8192xf32, #tpu.memory_space<hbm>> -> memref<1x2x8192xf32, #tpu.memory_space<hbm>>
        %dma_wait3A_404 = tpu.memref_squeeze %dma_wait3A_403 : memref<1x2x8192xf32, #tpu.memory_space<hbm>> -> memref<2x8192xf32, #tpu.memory_space<hbm>>
        tpu.wait_dma2 semaphore(%arg17 : memref<!tpu.dma_semaphore, #tpu.memory_space<semaphore_mem>>) src(%arg11 : memref<2x8192xf32, #tpu.memory_space<vmem>>) dst(%dma_wait3A_404 : memref<2x8192xf32, #tpu.memory_space<hbm>>)
      } else {
      }
      %scan3A_150 = arith.constant 0 : i32
      %scan3A_151 = arith.constant 0 : i32
      %scan3A_152 = arith.constant 64 : i32
      %scan3A_153 = arith.addi %scan3A_151, %scan3A_152 : i32
      %scan3A_154 = arith.constant 1 : i32
      scf.for %scan3A_367 = %scan3A_151 to %scan3A_153 step %scan3A_154  : i32 {
        %mul3A_368 = arith.constant 128 : i32
        %mul3A_369 = arith.muli %scan3A_367, %mul3A_368 : i32
        %add3A_370 = arith.constant 0 : i32
        %add3A_371 = arith.addi %mul3A_369, %add3A_370 : i32
        %get3A = arith.constant 0 : i32
        %get3A_372 = arith.index_cast %get3A : i32 to index
        %get3A_373 = arith.index_cast %add3A_371 : i32 to index
        %get3A_374 = tpu.vector_load %arg7[%get3A_372, %get3A_373] {strides = array<i32>} : memref<2x8192xf32, #tpu.memory_space<vmem>>, vector<1x16xf32>,
        %get3A_375 = vector.shape_cast %get3A_374 : vector<1x16xf32> to vector<16xf32>
        %get3A_376 = arith.constant 0 : i32
        %get3A_377 = arith.index_cast %get3A_376 : i32 to index
        %get3A_378 = arith.index_cast %add3A_371 : i32 to index
        %get3A_379 = tpu.vector_load %arg9[%get3A_377, %get3A_378] {strides = array<i32>} : memref<2x8192xf32, #tpu.memory_space<vmem>>, vector<1x16xf32>,
        %get3A_380 = vector.shape_cast %get3A_379 : vector<1x16xf32> to vector<16xf32>
        %add3A_381 = arith.addf %get3A_375, %get3A_380 : vector<16xf32>
        %swap3A = arith.constant 0 : i32
        %swap3A_382 = arith.index_cast %swap3A : i32 to index
        %swap3A_383 = arith.index_cast %add3A_371 : i32 to index
        %swap3A_384 = tpu.vector_load %arg11[%swap3A_382, %swap3A_383] {strides = array<i32>} : memref<2x8192xf32, #tpu.memory_space<vmem>>, vector<1x16xf32>,
        %swap3A_385 = vector.shape_cast %swap3A_384 : vector<1x16xf32> to vector<16xf32>
        %swap3A_386 = vector.shape_cast %add3A_381 : vector<16xf32> to vector<1x16xf32>
        tpu.vector_store %arg11[%swap3A_382, %swap3A_383], %swap3A_386 {strides = array<i32>} : memref<2x8192xf32, #tpu.memory_space<vmem>>, vector<1x16xf32>,
        %mul3A_387 = arith.constant 128 : i32
        %mul3A_388 = arith.muli %scan3A_367, %mul3A_387 : i32
        %add3A_389 = arith.constant 16 : i32
        %add3A_390 = arith.addi %mul3A_388, %add3A_389 : i32
        %get3A_391 = arith.constant 0 : i32
        %get3A_392 = arith.index_cast %get3A_391 : i32 to index
        %get3A_393 = arith.index_cast %add3A_390 : i32 to index
        %get3A_394 = tpu.vector_load %arg7[%get3A_392, %get3A_393] {strides = array<i32>} : memref<2x8192xf32, #tpu.memory_space<vmem>>, vector<1x16xf32>,
        %get3A_395 = vector.shape_cast %get3A_394 : vector<1x16xf32> to vector<16xf32>
        %get3A_396 = arith.constant 0 : i32
        %get3A_397 = arith.index_cast %get3A_396 : i32 to index
        %get3A_398 = arith.index_cast %add3A_390 : i32 to index
        %get3A_399 = tpu.vector_load %arg9[%get3A_397, %get3A_398] {strides = array<i32>} : memref<2x8192xf32, #tpu.memory_space<vmem>>, vector<1x16xf32>,
        %get3A_400 = vector.shape_cast %get3A_399 : vector<1x16xf32> to vector<16xf32>
        %add3A_401 = arith.addf %get3A_395, %get3A_400 : vector<16xf32>
        %swap3A_402 = arith.constant 0 : i32
        %swap3A_403 = arith.index_cast %swap3A_402 : i32 to index
        %swap3A_404 = arith.index_cast %add3A_390 : i32 to index
        %swap3A_405 = tpu.vector_load %arg11[%swap3A_403, %swap3A_404] {strides = array<i32>} : memref<2x8192xf32, #tpu.memory_space<vmem>>, vector<1x16xf32>,
        %swap3A_406 = vector.shape_cast %swap3A_405 : vector<1x16xf32> to vector<16xf32>
        %swap3A_407 = vector.shape_cast %add3A_401 : vector<16xf32> to vector<1x16xf32>
        tpu.vector_store %arg11[%swap3A_403, %swap3A_404], %swap3A_407 {strides = array<i32>} : memref<2x8192xf32, #tpu.memory_space<vmem>>, vector<1x16xf32>,
        %mul3A_408 = arith.constant 128 : i32
        %mul3A_409 = arith.muli %scan3A_367, %mul3A_408 : i32
        %add3A_410 = arith.constant 32 : i32
        %add3A_411 = arith.addi %mul3A_409, %add3A_410 : i32
        %get3A_412 = arith.constant 0 : i32
        %get3A_413 = arith.index_cast %get3A_412 : i32 to index
        %get3A_414 = arith.index_cast %add3A_411 : i32 to index
        %get3A_415 = tpu.vector_load %arg7[%get3A_413, %get3A_414] {strides = array<i32>} : memref<2x8192xf32, #tpu.memory_space<vmem>>, vector<1x16xf32>,
        %get3A_416 = vector.shape_cast %get3A_415 : vector<1x16xf32> to vector<16xf32>
        %get3A_417 = arith.constant 0 : i32
        %get3A_418 = arith.index_cast %get3A_417 : i32 to index
        %get3A_419 = arith.index_cast %add3A_411 : i32 to index
        %get3A_420 = tpu.vector_load %arg9[%get3A_418, %get3A_419] {strides = array<i32>} : memref<2x8192xf32, #tpu.memory_space<vmem>>, vector<1x16xf32>,
        %get3A_421 = vector.shape_cast %get3A_420 : vector<1x16xf32> to vector<16xf32>
        %add3A_422 = arith.addf %get3A_416, %get3A_421 : vector<16xf32>
        %swap3A_423 = arith.constant 0 : i32
        %swap3A_424 = arith.index_cast %swap3A_423 : i32 to index
        %swap3A_425 = arith.index_cast %add3A_411 : i32 to index
        %swap3A_426 = tpu.vector_load %arg11[%swap3A_424, %swap3A_425] {strides = array<i32>} : memref<2x8192xf32, #tpu.memory_space<vmem>>, vector<1x16xf32>,
        %swap3A_427 = vector.shape_cast %swap3A_426 : vector<1x16xf32> to vector<16xf32>
        %swap3A_428 = vector.shape_cast %add3A_422 : vector<16xf32> to vector<1x16xf32>
        tpu.vector_store %arg11[%swap3A_424, %swap3A_425], %swap3A_428 {strides = array<i32>} : memref<2x8192xf32, #tpu.memory_space<vmem>>, vector<1x16xf32>,
        %mul3A_429 = arith.constant 128 : i32
        %mul3A_430 = arith.muli %scan3A_367, %mul3A_429 : i32
        %add3A_431 = arith.constant 48 : i32
        %add3A_432 = arith.addi %mul3A_430, %add3A_431 : i32
        %get3A_433 = arith.constant 0 : i32
        %get3A_434 = arith.index_cast %get3A_433 : i32 to index
        %get3A_435 = arith.index_cast %add3A_432 : i32 to index
        %get3A_436 = tpu.vector_load %arg7[%get3A_434, %get3A_435] {strides = array<i32>} : memref<2x8192xf32, #tpu.memory_space<vmem>>, vector<1x16xf32>,
        %get3A_437 = vector.shape_cast %get3A_436 : vector<1x16xf32> to vector<16xf32>
        %get3A_438 = arith.constant 0 : i32
        %get3A_439 = arith.index_cast %get3A_438 : i32 to index
        %get3A_440 = arith.index_cast %add3A_432 : i32 to index
        %get3A_441 = tpu.vector_load %arg9[%get3A_439, %get3A_440] {strides = array<i32>} : memref<2x8192xf32, #tpu.memory_space<vmem>>, vector<1x16xf32>,
        %get3A_442 = vector.shape_cast %get3A_441 : vector<1x16xf32> to vector<16xf32>
        %add3A_443 = arith.addf %get3A_437, %get3A_442 : vector<16xf32>
        %swap3A_444 = arith.constant 0 : i32
        %swap3A_445 = arith.index_cast %swap3A_444 : i32 to index
        %swap3A_446 = arith.index_cast %add3A_432 : i32 to index
        %swap3A_447 = tpu.vector_load %arg11[%swap3A_445, %swap3A_446] {strides = array<i32>} : memref<2x8192xf32, #tpu.memory_space<vmem>>, vector<1x16xf32>,
        %swap3A_448 = vector.shape_cast %swap3A_447 : vector<1x16xf32> to vector<16xf32>
        %swap3A_449 = vector.shape_cast %add3A_443 : vector<16xf32> to vector<1x16xf32>
        tpu.vector_store %arg11[%swap3A_445, %swap3A_446], %swap3A_449 {strides = array<i32>} : memref<2x8192xf32, #tpu.memory_space<vmem>>, vector<1x16xf32>,
        %mul3A_450 = arith.constant 128 : i32
        %mul3A_451 = arith.muli %scan3A_367, %mul3A_450 : i32
        %add3A_452 = arith.constant 64 : i32
        %add3A_453 = arith.addi %mul3A_451, %add3A_452 : i32
        %get3A_454 = arith.constant 0 : i32
        %get3A_455 = arith.index_cast %get3A_454 : i32 to index
        %get3A_456 = arith.index_cast %add3A_453 : i32 to index
        %get3A_457 = tpu.vector_load %arg7[%get3A_455, %get3A_456] {strides = array<i32>} : memref<2x8192xf32, #tpu.memory_space<vmem>>, vector<1x16xf32>,
        %get3A_458 = vector.shape_cast %get3A_457 : vector<1x16xf32> to vector<16xf32>
        %get3A_459 = arith.constant 0 : i32
        %get3A_460 = arith.index_cast %get3A_459 : i32 to index
        %get3A_461 = arith.index_cast %add3A_453 : i32 to index
        %get3A_462 = tpu.vector_load %arg9[%get3A_460, %get3A_461] {strides = array<i32>} : memref<2x8192xf32, #tpu.memory_space<vmem>>, vector<1x16xf32>,
        %get3A_463 = vector.shape_cast %get3A_462 : vector<1x16xf32> to vector<16xf32>
        %add3A_464 = arith.addf %get3A_458, %get3A_463 : vector<16xf32>
        %swap3A_465 = arith.constant 0 : i32
        %swap3A_466 = arith.index_cast %swap3A_465 : i32 to index
        %swap3A_467 = arith.index_cast %add3A_453 : i32 to index
        %swap3A_468 = tpu.vector_load %arg11[%swap3A_466, %swap3A_467] {strides = array<i32>} : memref<2x8192xf32, #tpu.memory_space<vmem>>, vector<1x16xf32>,
        %swap3A_469 = vector.shape_cast %swap3A_468 : vector<1x16xf32> to vector<16xf32>
        %swap3A_470 = vector.shape_cast %add3A_464 : vector<16xf32> to vector<1x16xf32>
        tpu.vector_store %arg11[%swap3A_466, %swap3A_467], %swap3A_470 {strides = array<i32>} : memref<2x8192xf32, #tpu.memory_space<vmem>>, vector<1x16xf32>,
        %mul3A_471 = arith.constant 128 : i32
        %mul3A_472 = arith.muli %scan3A_367, %mul3A_471 : i32
        %add3A_473 = arith.constant 80 : i32
        %add3A_474 = arith.addi %mul3A_472, %add3A_473 : i32
        %get3A_475 = arith.constant 0 : i32
        %get3A_476 = arith.index_cast %get3A_475 : i32 to index
        %get3A_477 = arith.index_cast %add3A_474 : i32 to index
        %get3A_478 = tpu.vector_load %arg7[%get3A_476, %get3A_477] {strides = array<i32>} : memref<2x8192xf32, #tpu.memory_space<vmem>>, vector<1x16xf32>,
        %get3A_479 = vector.shape_cast %get3A_478 : vector<1x16xf32> to vector<16xf32>
        %get3A_480 = arith.constant 0 : i32
        %get3A_481 = arith.index_cast %get3A_480 : i32 to index
        %get3A_482 = arith.index_cast %add3A_474 : i32 to index
        %get3A_483 = tpu.vector_load %arg9[%get3A_481, %get3A_482] {strides = array<i32>} : memref<2x8192xf32, #tpu.memory_space<vmem>>, vector<1x16xf32>,
        %get3A_484 = vector.shape_cast %get3A_483 : vector<1x16xf32> to vector<16xf32>
        %add3A_485 = arith.addf %get3A_479, %get3A_484 : vector<16xf32>
        %swap3A_486 = arith.constant 0 : i32
        %swap3A_487 = arith.index_cast %swap3A_486 : i32 to index
        %swap3A_488 = arith.index_cast %add3A_474 : i32 to index
        %swap3A_489 = tpu.vector_load %arg11[%swap3A_487, %swap3A_488] {strides = array<i32>} : memref<2x8192xf32, #tpu.memory_space<vmem>>, vector<1x16xf32>,
        %swap3A_490 = vector.shape_cast %swap3A_489 : vector<1x16xf32> to vector<16xf32>
        %swap3A_491 = vector.shape_cast %add3A_485 : vector<16xf32> to vector<1x16xf32>
        tpu.vector_store %arg11[%swap3A_487, %swap3A_488], %swap3A_491 {strides = array<i32>} : memref<2x8192xf32, #tpu.memory_space<vmem>>, vector<1x16xf32>,
        %mul3A_492 = arith.constant 128 : i32
        %mul3A_493 = arith.muli %scan3A_367, %mul3A_492 : i32
        %add3A_494 = arith.constant 96 : i32
        %add3A_495 = arith.addi %mul3A_493, %add3A_494 : i32
        %get3A_496 = arith.constant 0 : i32
        %get3A_497 = arith.index_cast %get3A_496 : i32 to index
        %get3A_498 = arith.index_cast %add3A_495 : i32 to index
        %get3A_499 = tpu.vector_load %arg7[%get3A_497, %get3A_498] {strides = array<i32>} : memref<2x8192xf32, #tpu.memory_space<vmem>>, vector<1x16xf32>,
        %get3A_500 = vector.shape_cast %get3A_499 : vector<1x16xf32> to vector<16xf32>
        %get3A_501 = arith.constant 0 : i32
        %get3A_502 = arith.index_cast %get3A_501 : i32 to index
        %get3A_503 = arith.index_cast %add3A_495 : i32 to index
        %get3A_504 = tpu.vector_load %arg9[%get3A_502, %get3A_503] {strides = array<i32>} : memref<2x8192xf32, #tpu.memory_space<vmem>>, vector<1x16xf32>,
        %get3A_505 = vector.shape_cast %get3A_504 : vector<1x16xf32> to vector<16xf32>
        %add3A_506 = arith.addf %get3A_500, %get3A_505 : vector<16xf32>
        %swap3A_507 = arith.constant 0 : i32
        %swap3A_508 = arith.index_cast %swap3A_507 : i32 to index
        %swap3A_509 = arith.index_cast %add3A_495 : i32 to index
        %swap3A_510 = tpu.vector_load %arg11[%swap3A_508, %swap3A_509] {strides = array<i32>} : memref<2x8192xf32, #tpu.memory_space<vmem>>, vector<1x16xf32>,
        %swap3A_511 = vector.shape_cast %swap3A_510 : vector<1x16xf32> to vector<16xf32>
        %swap3A_512 = vector.shape_cast %add3A_506 : vector<16xf32> to vector<1x16xf32>
        tpu.vector_store %arg11[%swap3A_508, %swap3A_509], %swap3A_512 {strides = array<i32>} : memref<2x8192xf32, #tpu.memory_space<vmem>>, vector<1x16xf32>,
        %mul3A_513 = arith.constant 128 : i32
        %mul3A_514 = arith.muli %scan3A_367, %mul3A_513 : i32
        %add3A_515 = arith.constant 112 : i32
        %add3A_516 = arith.addi %mul3A_514, %add3A_515 : i32
        %get3A_517 = arith.constant 0 : i32
        %get3A_518 = arith.index_cast %get3A_517 : i32 to index
        %get3A_519 = arith.index_cast %add3A_516 : i32 to index
        %get3A_520 = tpu.vector_load %arg7[%get3A_518, %get3A_519] {strides = array<i32>} : memref<2x8192xf32, #tpu.memory_space<vmem>>, vector<1x16xf32>,
        %get3A_521 = vector.shape_cast %get3A_520 : vector<1x16xf32> to vector<16xf32>
        %get3A_522 = arith.constant 0 : i32
        %get3A_523 = arith.index_cast %get3A_522 : i32 to index
        %get3A_524 = arith.index_cast %add3A_516 : i32 to index
        %get3A_525 = tpu.vector_load %arg9[%get3A_523, %get3A_524] {strides = array<i32>} : memref<2x8192xf32, #tpu.memory_space<vmem>>, vector<1x16xf32>,
        %get3A_526 = vector.shape_cast %get3A_525 : vector<1x16xf32> to vector<16xf32>
        %add3A_527 = arith.addf %get3A_521, %get3A_526 : vector<16xf32>
        %swap3A_528 = arith.constant 0 : i32
        %swap3A_529 = arith.index_cast %swap3A_528 : i32 to index
        %swap3A_530 = arith.index_cast %add3A_516 : i32 to index
        %swap3A_531 = tpu.vector_load %arg11[%swap3A_529, %swap3A_530] {strides = array<i32>} : memref<2x8192xf32, #tpu.memory_space<vmem>>, vector<1x16xf32>,
        %swap3A_532 = vector.shape_cast %swap3A_531 : vector<1x16xf32> to vector<16xf32>
        %swap3A_533 = vector.shape_cast %add3A_527 : vector<16xf32> to vector<1x16xf32>
        tpu.vector_store %arg11[%swap3A_529, %swap3A_530], %swap3A_533 {strides = array<i32>} : memref<2x8192xf32, #tpu.memory_space<vmem>>, vector<1x16xf32>,
      }
      %scan3A_155 = arith.constant 64 : i32
      %scan3A_156 = arith.constant 0 : i32
      %scan3A_157 = arith.constant 0 : i32
      %scan3A_158 = arith.constant 64 : i32
      %scan3A_159 = arith.addi %scan3A_157, %scan3A_158 : i32
      %scan3A_160 = arith.constant 1 : i32
      scf.for %scan3A_367 = %scan3A_157 to %scan3A_159 step %scan3A_160  : i32 {
        %mul3A_368 = arith.constant 128 : i32
        %mul3A_369 = arith.muli %scan3A_367, %mul3A_368 : i32
        %add3A_370 = arith.constant 0 : i32
        %add3A_371 = arith.addi %mul3A_369, %add3A_370 : i32
        %get3A = arith.constant 1 : i32
        %get3A_372 = arith.index_cast %get3A : i32 to index
        %get3A_373 = arith.index_cast %add3A_371 : i32 to index
        %get3A_374 = tpu.vector_load %arg7[%get3A_372, %get3A_373] {strides = array<i32>} : memref<2x8192xf32, #tpu.memory_space<vmem>>, vector<1x16xf32>,
        %get3A_375 = vector.shape_cast %get3A_374 : vector<1x16xf32> to vector<16xf32>
        %get3A_376 = arith.constant 1 : i32
        %get3A_377 = arith.index_cast %get3A_376 : i32 to index
        %get3A_378 = arith.index_cast %add3A_371 : i32 to index
        %get3A_379 = tpu.vector_load %arg9[%get3A_377, %get3A_378] {strides = array<i32>} : memref<2x8192xf32, #tpu.memory_space<vmem>>, vector<1x16xf32>,
        %get3A_380 = vector.shape_cast %get3A_379 : vector<1x16xf32> to vector<16xf32>
        %add3A_381 = arith.addf %get3A_375, %get3A_380 : vector<16xf32>
        %swap3A = arith.constant 1 : i32
        %swap3A_382 = arith.index_cast %swap3A : i32 to index
        %swap3A_383 = arith.index_cast %add3A_371 : i32 to index
        %swap3A_384 = tpu.vector_load %arg11[%swap3A_382, %swap3A_383] {strides = array<i32>} : memref<2x8192xf32, #tpu.memory_space<vmem>>, vector<1x16xf32>,
        %swap3A_385 = vector.shape_cast %swap3A_384 : vector<1x16xf32> to vector<16xf32>
        %swap3A_386 = vector.shape_cast %add3A_381 : vector<16xf32> to vector<1x16xf32>
        tpu.vector_store %arg11[%swap3A_382, %swap3A_383], %swap3A_386 {strides = array<i32>} : memref<2x8192xf32, #tpu.memory_space<vmem>>, vector<1x16xf32>,
        %mul3A_387 = arith.constant 128 : i32
        %mul3A_388 = arith.muli %scan3A_367, %mul3A_387 : i32
        %add3A_389 = arith.constant 16 : i32
        %add3A_390 = arith.addi %mul3A_388, %add3A_389 : i32
        %get3A_391 = arith.constant 1 : i32
        %get3A_392 = arith.index_cast %get3A_391 : i32 to index
        %get3A_393 = arith.index_cast %add3A_390 : i32 to index
        %get3A_394 = tpu.vector_load %arg7[%get3A_392, %get3A_393] {strides = array<i32>} : memref<2x8192xf32, #tpu.memory_space<vmem>>, vector<1x16xf32>,
        %get3A_395 = vector.shape_cast %get3A_394 : vector<1x16xf32> to vector<16xf32>
        %get3A_396 = arith.constant 1 : i32
        %get3A_397 = arith.index_cast %get3A_396 : i32 to index
        %get3A_398 = arith.index_cast %add3A_390 : i32 to index
        %get3A_399 = tpu.vector_load %arg9[%get3A_397, %get3A_398] {strides = array<i32>} : memref<2x8192xf32, #tpu.memory_space<vmem>>, vector<1x16xf32>,
        %get3A_400 = vector.shape_cast %get3A_399 : vector<1x16xf32> to vector<16xf32>
        %add3A_401 = arith.addf %get3A_395, %get3A_400 : vector<16xf32>
        %swap3A_402 = arith.constant 1 : i32
        %swap3A_403 = arith.index_cast %swap3A_402 : i32 to index
        %swap3A_404 = arith.index_cast %add3A_390 : i32 to index
        %swap3A_405 = tpu.vector_load %arg11[%swap3A_403, %swap3A_404] {strides = array<i32>} : memref<2x8192xf32, #tpu.memory_space<vmem>>, vector<1x16xf32>,
        %swap3A_406 = vector.shape_cast %swap3A_405 : vector<1x16xf32> to vector<16xf32>
        %swap3A_407 = vector.shape_cast %add3A_401 : vector<16xf32> to vector<1x16xf32>
        tpu.vector_store %arg11[%swap3A_403, %swap3A_404], %swap3A_407 {strides = array<i32>} : memref<2x8192xf32, #tpu.memory_space<vmem>>, vector<1x16xf32>,
        %mul3A_408 = arith.constant 128 : i32
        %mul3A_409 = arith.muli %scan3A_367, %mul3A_408 : i32
        %add3A_410 = arith.constant 32 : i32
        %add3A_411 = arith.addi %mul3A_409, %add3A_410 : i32
        %get3A_412 = arith.constant 1 : i32
        %get3A_413 = arith.index_cast %get3A_412 : i32 to index
        %get3A_414 = arith.index_cast %add3A_411 : i32 to index
        %get3A_415 = tpu.vector_load %arg7[%get3A_413, %get3A_414] {strides = array<i32>} : memref<2x8192xf32, #tpu.memory_space<vmem>>, vector<1x16xf32>,
        %get3A_416 = vector.shape_cast %get3A_415 : vector<1x16xf32> to vector<16xf32>
        %get3A_417 = arith.constant 1 : i32
        %get3A_418 = arith.index_cast %get3A_417 : i32 to index
        %get3A_419 = arith.index_cast %add3A_411 : i32 to index
        %get3A_420 = tpu.vector_load %arg9[%get3A_418, %get3A_419] {strides = array<i32>} : memref<2x8192xf32, #tpu.memory_space<vmem>>, vector<1x16xf32>,
        %get3A_421 = vector.shape_cast %get3A_420 : vector<1x16xf32> to vector<16xf32>
        %add3A_422 = arith.addf %get3A_416, %get3A_421 : vector<16xf32>
        %swap3A_423 = arith.constant 1 : i32
        %swap3A_424 = arith.index_cast %swap3A_423 : i32 to index
        %swap3A_425 = arith.index_cast %add3A_411 : i32 to index
        %swap3A_426 = tpu.vector_load %arg11[%swap3A_424, %swap3A_425] {strides = array<i32>} : memref<2x8192xf32, #tpu.memory_space<vmem>>, vector<1x16xf32>,
        %swap3A_427 = vector.shape_cast %swap3A_426 : vector<1x16xf32> to vector<16xf32>
        %swap3A_428 = vector.shape_cast %add3A_422 : vector<16xf32> to vector<1x16xf32>
        tpu.vector_store %arg11[%swap3A_424, %swap3A_425], %swap3A_428 {strides = array<i32>} : memref<2x8192xf32, #tpu.memory_space<vmem>>, vector<1x16xf32>,
        %mul3A_429 = arith.constant 128 : i32
        %mul3A_430 = arith.muli %scan3A_367, %mul3A_429 : i32
        %add3A_431 = arith.constant 48 : i32
        %add3A_432 = arith.addi %mul3A_430, %add3A_431 : i32
        %get3A_433 = arith.constant 1 : i32
        %get3A_434 = arith.index_cast %get3A_433 : i32 to index
        %get3A_435 = arith.index_cast %add3A_432 : i32 to index
        %get3A_436 = tpu.vector_load %arg7[%get3A_434, %get3A_435] {strides = array<i32>} : memref<2x8192xf32, #tpu.memory_space<vmem>>, vector<1x16xf32>,
        %get3A_437 = vector.shape_cast %get3A_436 : vector<1x16xf32> to vector<16xf32>
        %get3A_438 = arith.constant 1 : i32
        %get3A_439 = arith.index_cast %get3A_438 : i32 to index
        %get3A_440 = arith.index_cast %add3A_432 : i32 to index
        %get3A_441 = tpu.vector_load %arg9[%get3A_439, %get3A_440] {strides = array<i32>} : memref<2x8192xf32, #tpu.memory_space<vmem>>, vector<1x16xf32>,
        %get3A_442 = vector.shape_cast %get3A_441 : vector<1x16xf32> to vector<16xf32>
        %add3A_443 = arith.addf %get3A_437, %get3A_442 : vector<16xf32>
        %swap3A_444 = arith.constant 1 : i32
        %swap3A_445 = arith.index_cast %swap3A_444 : i32 to index
        %swap3A_446 = arith.index_cast %add3A_432 : i32 to index
        %swap3A_447 = tpu.vector_load %arg11[%swap3A_445, %swap3A_446] {strides = array<i32>} : memref<2x8192xf32, #tpu.memory_space<vmem>>, vector<1x16xf32>,
        %swap3A_448 = vector.shape_cast %swap3A_447 : vector<1x16xf32> to vector<16xf32>
        %swap3A_449 = vector.shape_cast %add3A_443 : vector<16xf32> to vector<1x16xf32>
        tpu.vector_store %arg11[%swap3A_445, %swap3A_446], %swap3A_449 {strides = array<i32>} : memref<2x8192xf32, #tpu.memory_space<vmem>>, vector<1x16xf32>,
        %mul3A_450 = arith.constant 128 : i32
        %mul3A_451 = arith.muli %scan3A_367, %mul3A_450 : i32
        %add3A_452 = arith.constant 64 : i32
        %add3A_453 = arith.addi %mul3A_451, %add3A_452 : i32
        %get3A_454 = arith.constant 1 : i32
        %get3A_455 = arith.index_cast %get3A_454 : i32 to index
        %get3A_456 = arith.index_cast %add3A_453 : i32 to index
        %get3A_457 = tpu.vector_load %arg7[%get3A_455, %get3A_456] {strides = array<i32>} : memref<2x8192xf32, #tpu.memory_space<vmem>>, vector<1x16xf32>,
        %get3A_458 = vector.shape_cast %get3A_457 : vector<1x16xf32> to vector<16xf32>
        %get3A_459 = arith.constant 1 : i32
        %get3A_460 = arith.index_cast %get3A_459 : i32 to index
        %get3A_461 = arith.index_cast %add3A_453 : i32 to index
        %get3A_462 = tpu.vector_load %arg9[%get3A_460, %get3A_461] {strides = array<i32>} : memref<2x8192xf32, #tpu.memory_space<vmem>>, vector<1x16xf32>,
        %get3A_463 = vector.shape_cast %get3A_462 : vector<1x16xf32> to vector<16xf32>
        %add3A_464 = arith.addf %get3A_458, %get3A_463 : vector<16xf32>
        %swap3A_465 = arith.constant 1 : i32
        %swap3A_466 = arith.index_cast %swap3A_465 : i32 to index
        %swap3A_467 = arith.index_cast %add3A_453 : i32 to index
        %swap3A_468 = tpu.vector_load %arg11[%swap3A_466, %swap3A_467] {strides = array<i32>} : memref<2x8192xf32, #tpu.memory_space<vmem>>, vector<1x16xf32>,
        %swap3A_469 = vector.shape_cast %swap3A_468 : vector<1x16xf32> to vector<16xf32>
        %swap3A_470 = vector.shape_cast %add3A_464 : vector<16xf32> to vector<1x16xf32>
        tpu.vector_store %arg11[%swap3A_466, %swap3A_467], %swap3A_470 {strides = array<i32>} : memref<2x8192xf32, #tpu.memory_space<vmem>>, vector<1x16xf32>,
        %mul3A_471 = arith.constant 128 : i32
        %mul3A_472 = arith.muli %scan3A_367, %mul3A_471 : i32
        %add3A_473 = arith.constant 80 : i32
        %add3A_474 = arith.addi %mul3A_472, %add3A_473 : i32
        %get3A_475 = arith.constant 1 : i32
        %get3A_476 = arith.index_cast %get3A_475 : i32 to index
        %get3A_477 = arith.index_cast %add3A_474 : i32 to index
        %get3A_478 = tpu.vector_load %arg7[%get3A_476, %get3A_477] {strides = array<i32>} : memref<2x8192xf32, #tpu.memory_space<vmem>>, vector<1x16xf32>,
        %get3A_479 = vector.shape_cast %get3A_478 : vector<1x16xf32> to vector<16xf32>
        %get3A_480 = arith.constant 1 : i32
        %get3A_481 = arith.index_cast %get3A_480 : i32 to index
        %get3A_482 = arith.index_cast %add3A_474 : i32 to index
        %get3A_483 = tpu.vector_load %arg9[%get3A_481, %get3A_482] {strides = array<i32>} : memref<2x8192xf32, #tpu.memory_space<vmem>>, vector<1x16xf32>,
        %get3A_484 = vector.shape_cast %get3A_483 : vector<1x16xf32> to vector<16xf32>
        %add3A_485 = arith.addf %get3A_479, %get3A_484 : vector<16xf32>
        %swap3A_486 = arith.constant 1 : i32
        %swap3A_487 = arith.index_cast %swap3A_486 : i32 to index
        %swap3A_488 = arith.index_cast %add3A_474 : i32 to index
        %swap3A_489 = tpu.vector_load %arg11[%swap3A_487, %swap3A_488] {strides = array<i32>} : memref<2x8192xf32, #tpu.memory_space<vmem>>, vector<1x16xf32>,
        %swap3A_490 = vector.shape_cast %swap3A_489 : vector<1x16xf32> to vector<16xf32>
        %swap3A_491 = vector.shape_cast %add3A_485 : vector<16xf32> to vector<1x16xf32>
        tpu.vector_store %arg11[%swap3A_487, %swap3A_488], %swap3A_491 {strides = array<i32>} : memref<2x8192xf32, #tpu.memory_space<vmem>>, vector<1x16xf32>,
        %mul3A_492 = arith.constant 128 : i32
        %mul3A_493 = arith.muli %scan3A_367, %mul3A_492 : i32
        %add3A_494 = arith.constant 96 : i32
        %add3A_495 = arith.addi %mul3A_493, %add3A_494 : i32
        %get3A_496 = arith.constant 1 : i32
        %get3A_497 = arith.index_cast %get3A_496 : i32 to index
        %get3A_498 = arith.index_cast %add3A_495 : i32 to index
        %get3A_499 = tpu.vector_load %arg7[%get3A_497, %get3A_498] {strides = array<i32>} : memref<2x8192xf32, #tpu.memory_space<vmem>>, vector<1x16xf32>,
        %get3A_500 = vector.shape_cast %get3A_499 : vector<1x16xf32> to vector<16xf32>
        %get3A_501 = arith.constant 1 : i32
        %get3A_502 = arith.index_cast %get3A_501 : i32 to index
        %get3A_503 = arith.index_cast %add3A_495 : i32 to index
        %get3A_504 = tpu.vector_load %arg9[%get3A_502, %get3A_503] {strides = array<i32>} : memref<2x8192xf32, #tpu.memory_space<vmem>>, vector<1x16xf32>,
        %get3A_505 = vector.shape_cast %get3A_504 : vector<1x16xf32> to vector<16xf32>
        %add3A_506 = arith.addf %get3A_500, %get3A_505 : vector<16xf32>
        %swap3A_507 = arith.constant 1 : i32
        %swap3A_508 = arith.index_cast %swap3A_507 : i32 to index
        %swap3A_509 = arith.index_cast %add3A_495 : i32 to index
        %swap3A_510 = tpu.vector_load %arg11[%swap3A_508, %swap3A_509] {strides = array<i32>} : memref<2x8192xf32, #tpu.memory_space<vmem>>, vector<1x16xf32>,
        %swap3A_511 = vector.shape_cast %swap3A_510 : vector<1x16xf32> to vector<16xf32>
        %swap3A_512 = vector.shape_cast %add3A_506 : vector<16xf32> to vector<1x16xf32>
        tpu.vector_store %arg11[%swap3A_508, %swap3A_509], %swap3A_512 {strides = array<i32>} : memref<2x8192xf32, #tpu.memory_space<vmem>>, vector<1x16xf32>,
        %mul3A_513 = arith.constant 128 : i32
        %mul3A_514 = arith.muli %scan3A_367, %mul3A_513 : i32
        %add3A_515 = arith.constant 112 : i32
        %add3A_516 = arith.addi %mul3A_514, %add3A_515 : i32
        %get3A_517 = arith.constant 1 : i32
        %get3A_518 = arith.index_cast %get3A_517 : i32 to index
        %get3A_519 = arith.index_cast %add3A_516 : i32 to index
        %get3A_520 = tpu.vector_load %arg7[%get3A_518, %get3A_519] {strides = array<i32>} : memref<2x8192xf32, #tpu.memory_space<vmem>>, vector<1x16xf32>,
        %get3A_521 = vector.shape_cast %get3A_520 : vector<1x16xf32> to vector<16xf32>
        %get3A_522 = arith.constant 1 : i32
        %get3A_523 = arith.index_cast %get3A_522 : i32 to index
        %get3A_524 = arith.index_cast %add3A_516 : i32 to index
        %get3A_525 = tpu.vector_load %arg9[%get3A_523, %get3A_524] {strides = array<i32>} : memref<2x8192xf32, #tpu.memory_space<vmem>>, vector<1x16xf32>,
        %get3A_526 = vector.shape_cast %get3A_525 : vector<1x16xf32> to vector<16xf32>
        %add3A_527 = arith.addf %get3A_521, %get3A_526 : vector<16xf32>
        %swap3A_528 = arith.constant 1 : i32
        %swap3A_529 = arith.index_cast %swap3A_528 : i32 to index
        %swap3A_530 = arith.index_cast %add3A_516 : i32 to index
        %swap3A_531 = tpu.vector_load %arg11[%swap3A_529, %swap3A_530] {strides = array<i32>} : memref<2x8192xf32, #tpu.memory_space<vmem>>, vector<1x16xf32>,
        %swap3A_532 = vector.shape_cast %swap3A_531 : vector<1x16xf32> to vector<16xf32>
        %swap3A_533 = vector.shape_cast %add3A_527 : vector<16xf32> to vector<1x16xf32>
        tpu.vector_store %arg11[%swap3A_529, %swap3A_530], %swap3A_533 {strides = array<i32>} : memref<2x8192xf32, #tpu.memory_space<vmem>>, vector<1x16xf32>,
      }
      %scan3A_161 = arith.constant 64 : i32
      %add3A_162 = arith.constant 2 : i32
      %add3A_163 = arith.addi %add3A_59, %add3A_162 : i32
      %lt3A_164 = arith.constant 320 : i32
      %lt3A_165 = arith.cmpi slt, %add3A_163, %lt3A_164 : i32
      %convert_element_type3A_166 = arith.extui %lt3A_165 : i1 to i32
      %cond3A_167 = arith.constant 0 : i32
      %cond3A_168 = arith.cmpi ne, %convert_element_type3A_166, %cond3A_167 : i32
      scf.if %cond3A_168 {
        %add3A_367 = arith.constant 2 : i32
        %add3A_368 = arith.addi %add3A_59, %add3A_367 : i32
        %jit3A_369 = arith.constant 2 : i32
        %eq3A_370 = arith.constant 0 : i32
        %eq3A_371 = arith.cmpi eq, %jit3A_369, %eq3A_370 : i32
        %jit3A_372 = arith.constant 1 : i32
        %select_n3A_373 = arith.select %eq3A_371, %jit3A_372, %jit3A_369 : i32
        %rem3A_374 = arith.remsi %add3A_368, %select_n3A_373 : i32
        %ne3A_375 = arith.constant 0 : i32
        %ne3A_376 = arith.cmpi ne, %rem3A_374, %ne3A_375 : i32
        %lt3A_377 = arith.constant 0 : i32
        %lt3A_378 = arith.cmpi slt, %rem3A_374, %lt3A_377 : i32
        %lt3A_379 = arith.constant 0 : i32
        %lt3A_380 = arith.cmpi slt, %select_n3A_373, %lt3A_379 : i32
        %ne3A_381 = arith.xori %lt3A_378, %lt3A_380 : i1
        %and3A_382 = arith.andi %ne3A_381, %ne3A_376 : i1
        %add3A_383 = arith.addi %rem3A_374, %select_n3A_373 : i32
        %select_n3A_384 = arith.select %and3A_382, %add3A_383, %rem3A_374 : i32
        %mul3A_385 = arith.constant 16 : i32
        %mul3A_386 = arith.muli %select_n3A_384, %mul3A_385 : i32
        %multiple_of3A_387 = tpu.assume_multiple %mul3A_386, 8 : i32
        %jit3A_388 = arith.constant 2 : i32
        %div3A_389 = arith.divsi %add3A_368, %jit3A_388 : i32
        %sign3A_390 = arith.constant 0 : i32
        %sign3A_391 = arith.cmpi sgt, %add3A_368, %sign3A_390 : i32
        %sign3A_392 = arith.extui %sign3A_391 : i1 to i32
        %sign3A_393 = arith.constant 0 : i32
        %sign3A_394 = arith.cmpi slt, %add3A_368, %sign3A_393 : i32
        %sign3A_395 = arith.extui %sign3A_394 : i1 to i32
        %sign3A_396 = arith.subi %sign3A_392, %sign3A_395 : i32
        %sign3A_397 = arith.constant 0 : i32
        %sign3A_398 = arith.cmpi sgt, %jit3A_388, %sign3A_397 : i32
        %sign3A_399 = arith.extui %sign3A_398 : i1 to i32
        %sign3A_400 = arith.constant 0 : i32
        %sign3A_401 = arith.cmpi slt, %jit3A_388, %sign3A_400 : i32
        %sign3A_402 = arith.extui %sign3A_401 : i1 to i32
        %sign3A_403 = arith.subi %sign3A_399, %sign3A_402 : i32
        %ne3A_404 = arith.cmpi ne, %sign3A_396, %sign3A_403 : i32
        %rem3A_405 = arith.remsi %add3A_368, %jit3A_388 : i32
        %ne3A_406 = arith.constant 0 : i32
        %ne3A_407 = arith.cmpi ne, %rem3A_405, %ne3A_406 : i32
        %and3A_408 = arith.andi %ne3A_404, %ne3A_407 : i1
        %sub3A_409 = arith.constant 1 : i32
        %sub3A_410 = arith.subi %div3A_389, %sub3A_409 : i32
        %select_n3A_411 = arith.select %and3A_408, %sub3A_410, %div3A_389 : i32
        %dma_start3A_412 = tpu.memref_slice %arg6[%select_n3A_411, %multiple_of3A_387] : memref<160x32xi32, #tpu.memory_space<vmem>> -> memref<1x2xi32, #tpu.memory_space<vmem>>
        %dma_start3A_413 = tpu.memref_squeeze %dma_start3A_412 : memref<1x2xi32, #tpu.memory_space<vmem>> -> memref<2xi32, #tpu.memory_space<vmem>>
        %dma_start3A_414 = arith.constant 0 : i32
        %dma_start3A_415 = arith.constant 0 : i32
        %dma_start3A_416 = tpu.memref_slice %arg2[%dma_start3A_414, %dma_start3A_415] : memref<50000x8192xf32, #tpu.memory_space<hbm>> -> memref<50000x8192xf32, #tpu.memory_space<hbm>>
        tpu.enqueue_indirect_dma source(%dma_start3A_416 : memref<50000x8192xf32, #tpu.memory_space<hbm>>) target(%arg7 : memref<2x8192xf32, #tpu.memory_space<vmem>>) offsets(%dma_start3A_413 : memref<2xi32, #tpu.memory_space<vmem>>) semaphore(%arg13 : memref<!tpu.dma_semaphore, #tpu.memory_space<semaphore_mem>>)
        %jit3A_417 = arith.constant 2 : i32
        %eq3A_418 = arith.constant 0 : i32
        %eq3A_419 = arith.cmpi eq, %jit3A_417, %eq3A_418 : i32
        %jit3A_420 = arith.constant 1 : i32
        %select_n3A_421 = arith.select %eq3A_419, %jit3A_420, %jit3A_417 : i32
        %rem3A_422 = arith.remsi %add3A_368, %select_n3A_421 : i32
        %ne3A_423 = arith.constant 0 : i32
        %ne3A_424 = arith.cmpi ne, %rem3A_422, %ne3A_423 : i32
        %lt3A_425 = arith.constant 0 : i32
        %lt3A_426 = arith.cmpi slt, %rem3A_422, %lt3A_425 : i32
        %lt3A_427 = arith.constant 0 : i32
        %lt3A_428 = arith.cmpi slt, %select_n3A_421, %lt3A_427 : i32
        %ne3A_429 = arith.xori %lt3A_426, %lt3A_428 : i1
        %and3A_430 = arith.andi %ne3A_429, %ne3A_424 : i1
        %add3A_431 = arith.addi %rem3A_422, %select_n3A_421 : i32
        %select_n3A_432 = arith.select %and3A_430, %add3A_431, %rem3A_422 : i32
        %mul3A_433 = arith.constant 16 : i32
        %mul3A_434 = arith.muli %select_n3A_432, %mul3A_433 : i32
        %add3A_435 = arith.constant 8 : i32
        %add3A_436 = arith.addi %mul3A_434, %add3A_435 : i32
        %multiple_of3A_437 = tpu.assume_multiple %add3A_436, 8 : i32
        %jit3A_438 = arith.constant 2 : i32
        %div3A_439 = arith.divsi %add3A_368, %jit3A_438 : i32
        %sign3A_440 = arith.constant 0 : i32
        %sign3A_441 = arith.cmpi sgt, %add3A_368, %sign3A_440 : i32
        %sign3A_442 = arith.extui %sign3A_441 : i1 to i32
        %sign3A_443 = arith.constant 0 : i32
        %sign3A_444 = arith.cmpi slt, %add3A_368, %sign3A_443 : i32
        %sign3A_445 = arith.extui %sign3A_444 : i1 to i32
        %sign3A_446 = arith.subi %sign3A_442, %sign3A_445 : i32
        %sign3A_447 = arith.constant 0 : i32
        %sign3A_448 = arith.cmpi sgt, %jit3A_438, %sign3A_447 : i32
        %sign3A_449 = arith.extui %sign3A_448 : i1 to i32
        %sign3A_450 = arith.constant 0 : i32
        %sign3A_451 = arith.cmpi slt, %jit3A_438, %sign3A_450 : i32
        %sign3A_452 = arith.extui %sign3A_451 : i1 to i32
        %sign3A_453 = arith.subi %sign3A_449, %sign3A_452 : i32
        %ne3A_454 = arith.cmpi ne, %sign3A_446, %sign3A_453 : i32
        %rem3A_455 = arith.remsi %add3A_368, %jit3A_438 : i32
        %ne3A_456 = arith.constant 0 : i32
        %ne3A_457 = arith.cmpi ne, %rem3A_455, %ne3A_456 : i32
        %and3A_458 = arith.andi %ne3A_454, %ne3A_457 : i1
        %sub3A_459 = arith.constant 1 : i32
        %sub3A_460 = arith.subi %div3A_439, %sub3A_459 : i32
        %select_n3A_461 = arith.select %and3A_458, %sub3A_460, %div3A_439 : i32
        %dma_start3A_462 = tpu.memref_slice %arg6[%select_n3A_461, %multiple_of3A_437] : memref<160x32xi32, #tpu.memory_space<vmem>> -> memref<1x2xi32, #tpu.memory_space<vmem>>
        %dma_start3A_463 = tpu.memref_squeeze %dma_start3A_462 : memref<1x2xi32, #tpu.memory_space<vmem>> -> memref<2xi32, #tpu.memory_space<vmem>>
        %dma_start3A_464 = arith.constant 0 : i32
        %dma_start3A_465 = arith.constant 0 : i32
        %dma_start3A_466 = tpu.memref_slice %arg3[%dma_start3A_464, %dma_start3A_465] : memref<50x8192xf32, #tpu.memory_space<hbm>> -> memref<50x8192xf32, #tpu.memory_space<hbm>>
        tpu.enqueue_indirect_dma source(%dma_start3A_466 : memref<50x8192xf32, #tpu.memory_space<hbm>>) target(%arg9 : memref<2x8192xf32, #tpu.memory_space<vmem>>) offsets(%dma_start3A_463 : memref<2xi32, #tpu.memory_space<vmem>>) semaphore(%arg15 : memref<!tpu.dma_semaphore, #tpu.memory_space<semaphore_mem>>)
      } else {
      }
      %jit3A_169 = arith.constant 16 : i32
      %div3A_170 = arith.divsi %add3A_59, %jit3A_169 : i32
      %sign3A_171 = arith.constant 0 : i32
      %sign3A_172 = arith.cmpi sgt, %add3A_59, %sign3A_171 : i32
      %sign3A_173 = arith.extui %sign3A_172 : i1 to i32
      %sign3A_174 = arith.constant 0 : i32
      %sign3A_175 = arith.cmpi slt, %add3A_59, %sign3A_174 : i32
      %sign3A_176 = arith.extui %sign3A_175 : i1 to i32
      %sign3A_177 = arith.subi %sign3A_173, %sign3A_176 : i32
      %sign3A_178 = arith.constant 0 : i32
      %sign3A_179 = arith.cmpi sgt, %jit3A_169, %sign3A_178 : i32
      %sign3A_180 = arith.extui %sign3A_179 : i1 to i32
      %sign3A_181 = arith.constant 0 : i32
      %sign3A_182 = arith.cmpi slt, %jit3A_169, %sign3A_181 : i32
      %sign3A_183 = arith.extui %sign3A_182 : i1 to i32
      %sign3A_184 = arith.subi %sign3A_180, %sign3A_183 : i32
      %ne3A_185 = arith.cmpi ne, %sign3A_177, %sign3A_184 : i32
      %rem3A_186 = arith.remsi %add3A_59, %jit3A_169 : i32
      %ne3A_187 = arith.constant 0 : i32
      %ne3A_188 = arith.cmpi ne, %rem3A_186, %ne3A_187 : i32
      %and3A_189 = arith.andi %ne3A_185, %ne3A_188 : i1
      %sub3A_190 = arith.constant 1 : i32
      %sub3A_191 = arith.subi %div3A_170, %sub3A_190 : i32
      %select_n3A_192 = arith.select %and3A_189, %sub3A_191, %div3A_170 : i32
      %mul3A_193 = arith.constant 16 : i32
      %mul3A_194 = arith.muli %select_n3A_192, %mul3A_193 : i32
      %sub3A_195 = arith.subi %add3A_59, %mul3A_194 : i32
      %mul3A_196 = arith.constant 2 : i32
      %mul3A_197 = arith.muli %sub3A_195, %mul3A_196 : i32
      %add3A_198 = arith.addi %mul3A_2, %mul3A_197 : i32
      %dma_start3A_199 = arith.constant 0 : i32
      %dma_start3A_200 = tpu.memref_slice %arg5[%select_n3A_192, %add3A_198, %dma_start3A_199] : memref<20x1024x8192xf32, #tpu.memory_space<hbm>> -> memref<1x2x8192xf32, #tpu.memory_space<hbm>>
      %dma_start3A_201 = tpu.memref_squeeze %dma_start3A_200 : memref<1x2x8192xf32, #tpu.memory_space<hbm>> -> memref<2x8192xf32, #tpu.memory_space<hbm>>
      %dma_start3A_202 = arith.constant 0 : i32
      %dma_start3A_203 = tpu.memref_slice %arg5[%select_n3A_192, %add3A_198, %dma_start3A_202] : memref<20x1024x8192xf32, #tpu.memory_space<hbm>> -> memref<1x2x8192xf32, #tpu.memory_space<hbm>>
      %dma_start3A_204 = tpu.memref_squeeze %dma_start3A_203 : memref<1x2x8192xf32, #tpu.memory_space<hbm>> -> memref<2x8192xf32, #tpu.memory_space<hbm>>
      tpu.enqueue_dma source(%arg11 : memref<2x8192xf32, #tpu.memory_space<vmem>>) target(%dma_start3A_204 : memref<2x8192xf32, #tpu.memory_space<hbm>>) target_semaphore(%arg17 : memref<!tpu.dma_semaphore, #tpu.memory_space<semaphore_mem>>)
      %mul3A_205 = arith.constant 2 : i32
      %mul3A_206 = arith.muli %scan3A_55, %mul3A_205 : i32
      %add3A_207 = arith.constant 1 : i32
      %add3A_208 = arith.addi %mul3A_206, %add3A_207 : i32
      %jit3A_209 = arith.constant 2 : i32
      %eq3A_210 = arith.constant 0 : i32
      %eq3A_211 = arith.cmpi eq, %jit3A_209, %eq3A_210 : i32
      %jit3A_212 = arith.constant 1 : i32
      %select_n3A_213 = arith.select %eq3A_211, %jit3A_212, %jit3A_209 : i32
      %rem3A_214 = arith.remsi %add3A_208, %select_n3A_213 : i32
      %ne3A_215 = arith.constant 0 : i32
      %ne3A_216 = arith.cmpi ne, %rem3A_214, %ne3A_215 : i32
      %lt3A_217 = arith.constant 0 : i32
      %lt3A_218 = arith.cmpi slt, %rem3A_214, %lt3A_217 : i32
      %lt3A_219 = arith.constant 0 : i32
      %lt3A_220 = arith.cmpi slt, %select_n3A_213, %lt3A_219 : i32
      %ne3A_221 = arith.xori %lt3A_218, %lt3A_220 : i1
      %and3A_222 = arith.andi %ne3A_221, %ne3A_216 : i1
      %add3A_223 = arith.addi %rem3A_214, %select_n3A_213 : i32
      %select_n3A_224 = arith.select %and3A_222, %add3A_223, %rem3A_214 : i32
      %mul3A_225 = arith.constant 16 : i32
      %mul3A_226 = arith.muli %select_n3A_224, %mul3A_225 : i32
      %multiple_of3A_227 = tpu.assume_multiple %mul3A_226, 8 : i32
      %jit3A_228 = arith.constant 2 : i32
      %div3A_229 = arith.divsi %add3A_208, %jit3A_228 : i32
      %sign3A_230 = arith.constant 0 : i32
      %sign3A_231 = arith.cmpi sgt, %add3A_208, %sign3A_230 : i32
      %sign3A_232 = arith.extui %sign3A_231 : i1 to i32
      %sign3A_233 = arith.constant 0 : i32
      %sign3A_234 = arith.cmpi slt, %add3A_208, %sign3A_233 : i32
      %sign3A_235 = arith.extui %sign3A_234 : i1 to i32
      %sign3A_236 = arith.subi %sign3A_232, %sign3A_235 : i32
      %sign3A_237 = arith.constant 0 : i32
      %sign3A_238 = arith.cmpi sgt, %jit3A_228, %sign3A_237 : i32
      %sign3A_239 = arith.extui %sign3A_238 : i1 to i32
      %sign3A_240 = arith.constant 0 : i32
      %sign3A_241 = arith.cmpi slt, %jit3A_228, %sign3A_240 : i32
      %sign3A_242 = arith.extui %sign3A_241 : i1 to i32
      %sign3A_243 = arith.subi %sign3A_239, %sign3A_242 : i32
      %ne3A_244 = arith.cmpi ne, %sign3A_236, %sign3A_243 : i32
      %rem3A_245 = arith.remsi %add3A_208, %jit3A_228 : i32
      %ne3A_246 = arith.constant 0 : i32
      %ne3A_247 = arith.cmpi ne, %rem3A_245, %ne3A_246 : i32
      %and3A_248 = arith.andi %ne3A_244, %ne3A_247 : i1
      %sub3A_249 = arith.constant 1 : i32
      %sub3A_250 = arith.subi %div3A_229, %sub3A_249 : i32
      %select_n3A_251 = arith.select %and3A_248, %sub3A_250, %div3A_229 : i32
      %dma_wait3A_252 = tpu.memref_slice %arg6[%select_n3A_251, %multiple_of3A_227] : memref<160x32xi32, #tpu.memory_space<vmem>> -> memref<1x2xi32, #tpu.memory_space<vmem>>
      %dma_wait3A_253 = tpu.memref_squeeze %dma_wait3A_252 : memref<1x2xi32, #tpu.memory_space<vmem>> -> memref<2xi32, #tpu.memory_space<vmem>>
      %dma_wait3A_254 = arith.constant 0 : i32
      %dma_wait3A_255 = arith.constant 0 : i32
      %dma_wait3A_256 = tpu.memref_slice %arg2[%dma_wait3A_254, %dma_wait3A_255] : memref<50000x8192xf32, #tpu.memory_space<hbm>> -> memref<50000x8192xf32, #tpu.memory_space<hbm>>
      tpu.wait_indirect_dma semaphore(%arg14 : memref<!tpu.dma_semaphore, #tpu.memory_space<semaphore_mem>>) src(%dma_wait3A_256 : memref<50000x8192xf32, #tpu.memory_space<hbm>>) dst(%arg8 : memref<2x8192xf32, #tpu.memory_space<vmem>>)
      %jit3A_257 = arith.constant 2 : i32
      %eq3A_258 = arith.constant 0 : i32
      %eq3A_259 = arith.cmpi eq, %jit3A_257, %eq3A_258 : i32
      %jit3A_260 = arith.constant 1 : i32
      %select_n3A_261 = arith.select %eq3A_259, %jit3A_260, %jit3A_257 : i32
      %rem3A_262 = arith.remsi %add3A_208, %select_n3A_261 : i32
      %ne3A_263 = arith.constant 0 : i32
      %ne3A_264 = arith.cmpi ne, %rem3A_262, %ne3A_263 : i32
      %lt3A_265 = arith.constant 0 : i32
      %lt3A_266 = arith.cmpi slt, %rem3A_262, %lt3A_265 : i32
      %lt3A_267 = arith.constant 0 : i32
      %lt3A_268 = arith.cmpi slt, %select_n3A_261, %lt3A_267 : i32
      %ne3A_269 = arith.xori %lt3A_266, %lt3A_268 : i1
      %and3A_270 = arith.andi %ne3A_269, %ne3A_264 : i1
      %add3A_271 = arith.addi %rem3A_262, %select_n3A_261 : i32
      %select_n3A_272 = arith.select %and3A_270, %add3A_271, %rem3A_262 : i32
      %mul3A_273 = arith.constant 16 : i32
      %mul3A_274 = arith.muli %select_n3A_272, %mul3A_273 : i32
      %add3A_275 = arith.constant 8 : i32
      %add3A_276 = arith.addi %mul3A_274, %add3A_275 : i32
      %multiple_of3A_277 = tpu.assume_multiple %add3A_276, 8 : i32
      %jit3A_278 = arith.constant 2 : i32
      %div3A_279 = arith.divsi %add3A_208, %jit3A_278 : i32
      %sign3A_280 = arith.constant 0 : i32
      %sign3A_281 = arith.cmpi sgt, %add3A_208, %sign3A_280 : i32
      %sign3A_282 = arith.extui %sign3A_281 : i1 to i32
      %sign3A_283 = arith.constant 0 : i32
      %sign3A_284 = arith.cmpi slt, %add3A_208, %sign3A_283 : i32
      %sign3A_285 = arith.extui %sign3A_284 : i1 to i32
      %sign3A_286 = arith.subi %sign3A_282, %sign3A_285 : i32
      %sign3A_287 = arith.constant 0 : i32
      %sign3A_288 = arith.cmpi sgt, %jit3A_278, %sign3A_287 : i32
      %sign3A_289 = arith.extui %sign3A_288 : i1 to i32
      %sign3A_290 = arith.constant 0 : i32
      %sign3A_291 = arith.cmpi slt, %jit3A_278, %sign3A_290 : i32
      %sign3A_292 = arith.extui %sign3A_291 : i1 to i32
      %sign3A_293 = arith.subi %sign3A_289, %sign3A_292 : i32
      %ne3A_294 = arith.cmpi ne, %sign3A_286, %sign3A_293 : i32
      %rem3A_295 = arith.remsi %add3A_208, %jit3A_278 : i32
      %ne3A_296 = arith.constant 0 : i32
      %ne3A_297 = arith.cmpi ne, %rem3A_295, %ne3A_296 : i32
      %and3A_298 = arith.andi %ne3A_294, %ne3A_297 : i1
      %sub3A_299 = arith.constant 1 : i32
      %sub3A_300 = arith.subi %div3A_279, %sub3A_299 : i32
      %select_n3A_301 = arith.select %and3A_298, %sub3A_300, %div3A_279 : i32
      %dma_wait3A_302 = tpu.memref_slice %arg6[%select_n3A_301, %multiple_of3A_277] : memref<160x32xi32, #tpu.memory_space<vmem>> -> memref<1x2xi32, #tpu.memory_space<vmem>>
      %dma_wait3A_303 = tpu.memref_squeeze %dma_wait3A_302 : memref<1x2xi32, #tpu.memory_space<vmem>> -> memref<2xi32, #tpu.memory_space<vmem>>
      %dma_wait3A_304 = arith.constant 0 : i32
      %dma_wait3A_305 = arith.constant 0 : i32
      %dma_wait3A_306 = tpu.memref_slice %arg3[%dma_wait3A_304, %dma_wait3A_305] : memref<50x8192xf32, #tpu.memory_space<hbm>> -> memref<50x8192xf32, #tpu.memory_space<hbm>>
      tpu.wait_indirect_dma semaphore(%arg16 : memref<!tpu.dma_semaphore, #tpu.memory_space<semaphore_mem>>) src(%dma_wait3A_306 : memref<50x8192xf32, #tpu.memory_space<hbm>>) dst(%arg10 : memref<2x8192xf32, #tpu.memory_space<vmem>>)
      %ge3A_307 = arith.constant 1 : i32
      %ge3A_308 = arith.cmpi sge, %scan3A_55, %ge3A_307 : i32
      %convert_element_type3A_309 = arith.extui %ge3A_308 : i1 to i32
      %cond3A_310 = arith.constant 0 : i32
      %cond3A_311 = arith.cmpi ne, %convert_element_type3A_309, %cond3A_310 : i32
      scf.if %cond3A_311 {
        %sub3A_367 = arith.constant 2 : i32
        %sub3A_368 = arith.subi %add3A_208, %sub3A_367 : i32
        %jit3A_369 = arith.constant 16 : i32
        %div3A_370 = arith.divsi %sub3A_368, %jit3A_369 : i32
        %sign3A_371 = arith.constant 0 : i32
        %sign3A_372 = arith.cmpi sgt, %sub3A_368, %sign3A_371 : i32
        %sign3A_373 = arith.extui %sign3A_372 : i1 to i32
        %sign3A_374 = arith.constant 0 : i32
        %sign3A_375 = arith.cmpi slt, %sub3A_368, %sign3A_374 : i32
        %sign3A_376 = arith.extui %sign3A_375 : i1 to i32
        %sign3A_377 = arith.subi %sign3A_373, %sign3A_376 : i32
        %sign3A_378 = arith.constant 0 : i32
        %sign3A_379 = arith.cmpi sgt, %jit3A_369, %sign3A_378 : i32
        %sign3A_380 = arith.extui %sign3A_379 : i1 to i32
        %sign3A_381 = arith.constant 0 : i32
        %sign3A_382 = arith.cmpi slt, %jit3A_369, %sign3A_381 : i32
        %sign3A_383 = arith.extui %sign3A_382 : i1 to i32
        %sign3A_384 = arith.subi %sign3A_380, %sign3A_383 : i32
        %ne3A_385 = arith.cmpi ne, %sign3A_377, %sign3A_384 : i32
        %rem3A_386 = arith.remsi %sub3A_368, %jit3A_369 : i32
        %ne3A_387 = arith.constant 0 : i32
        %ne3A_388 = arith.cmpi ne, %rem3A_386, %ne3A_387 : i32
        %and3A_389 = arith.andi %ne3A_385, %ne3A_388 : i1
        %sub3A_390 = arith.constant 1 : i32
        %sub3A_391 = arith.subi %div3A_370, %sub3A_390 : i32
        %select_n3A_392 = arith.select %and3A_389, %sub3A_391, %div3A_370 : i32
        %mul3A_393 = arith.constant 16 : i32
        %mul3A_394 = arith.muli %select_n3A_392, %mul3A_393 : i32
        %sub3A_395 = arith.subi %sub3A_368, %mul3A_394 : i32
        %mul3A_396 = arith.constant 2 : i32
        %mul3A_397 = arith.muli %sub3A_395, %mul3A_396 : i32
        %add3A_398 = arith.addi %mul3A_2, %mul3A_397 : i32
        %dma_wait3A_399 = arith.constant 0 : i32
        %dma_wait3A_400 = tpu.memref_slice %arg5[%select_n3A_392, %add3A_398, %dma_wait3A_399] : memref<20x1024x8192xf32, #tpu.memory_space<hbm>> -> memref<1x2x8192xf32, #tpu.memory_space<hbm>>
        %dma_wait3A_401 = tpu.memref_squeeze %dma_wait3A_400 : memref<1x2x8192xf32, #tpu.memory_space<hbm>> -> memref<2x8192xf32, #tpu.memory_space<hbm>>
        %dma_wait3A_402 = arith.constant 0 : i32
        %dma_wait3A_403 = tpu.memref_slice %arg5[%select_n3A_392, %add3A_398, %dma_wait3A_402] : memref<20x1024x8192xf32, #tpu.memory_space<hbm>> -> memref<1x2x8192xf32, #tpu.memory_space<hbm>>
        %dma_wait3A_404 = tpu.memref_squeeze %dma_wait3A_403 : memref<1x2x8192xf32, #tpu.memory_space<hbm>> -> memref<2x8192xf32, #tpu.memory_space<hbm>>
        tpu.wait_dma2 semaphore(%arg18 : memref<!tpu.dma_semaphore, #tpu.memory_space<semaphore_mem>>) src(%arg12 : memref<2x8192xf32, #tpu.memory_space<vmem>>) dst(%dma_wait3A_404 : memref<2x8192xf32, #tpu.memory_space<hbm>>)
      } else {
      }
      %scan3A_312 = arith.constant 0 : i32
      %scan3A_313 = arith.constant 0 : i32
      %scan3A_314 = arith.constant 64 : i32
      %scan3A_315 = arith.addi %scan3A_313, %scan3A_314 : i32
      %scan3A_316 = arith.constant 1 : i32
      scf.for %scan3A_367 = %scan3A_313 to %scan3A_315 step %scan3A_316  : i32 {
        %mul3A_368 = arith.constant 128 : i32
        %mul3A_369 = arith.muli %scan3A_367, %mul3A_368 : i32
        %add3A_370 = arith.constant 0 : i32
        %add3A_371 = arith.addi %mul3A_369, %add3A_370 : i32
        %get3A = arith.constant 0 : i32
        %get3A_372 = arith.index_cast %get3A : i32 to index
        %get3A_373 = arith.index_cast %add3A_371 : i32 to index
        %get3A_374 = tpu.vector_load %arg8[%get3A_372, %get3A_373] {strides = array<i32>} : memref<2x8192xf32, #tpu.memory_space<vmem>>, vector<1x16xf32>,
        %get3A_375 = vector.shape_cast %get3A_374 : vector<1x16xf32> to vector<16xf32>
        %get3A_376 = arith.constant 0 : i32
        %get3A_377 = arith.index_cast %get3A_376 : i32 to index
        %get3A_378 = arith.index_cast %add3A_371 : i32 to index
        %get3A_379 = tpu.vector_load %arg10[%get3A_377, %get3A_378] {strides = array<i32>} : memref<2x8192xf32, #tpu.memory_space<vmem>>, vector<1x16xf32>,
        %get3A_380 = vector.shape_cast %get3A_379 : vector<1x16xf32> to vector<16xf32>
        %add3A_381 = arith.addf %get3A_375, %get3A_380 : vector<16xf32>
        %swap3A = arith.constant 0 : i32
        %swap3A_382 = arith.index_cast %swap3A : i32 to index
        %swap3A_383 = arith.index_cast %add3A_371 : i32 to index
        %swap3A_384 = tpu.vector_load %arg12[%swap3A_382, %swap3A_383] {strides = array<i32>} : memref<2x8192xf32, #tpu.memory_space<vmem>>, vector<1x16xf32>,
        %swap3A_385 = vector.shape_cast %swap3A_384 : vector<1x16xf32> to vector<16xf32>
        %swap3A_386 = vector.shape_cast %add3A_381 : vector<16xf32> to vector<1x16xf32>
        tpu.vector_store %arg12[%swap3A_382, %swap3A_383], %swap3A_386 {strides = array<i32>} : memref<2x8192xf32, #tpu.memory_space<vmem>>, vector<1x16xf32>,
        %mul3A_387 = arith.constant 128 : i32
        %mul3A_388 = arith.muli %scan3A_367, %mul3A_387 : i32
        %add3A_389 = arith.constant 16 : i32
        %add3A_390 = arith.addi %mul3A_388, %add3A_389 : i32
        %get3A_391 = arith.constant 0 : i32
        %get3A_392 = arith.index_cast %get3A_391 : i32 to index
        %get3A_393 = arith.index_cast %add3A_390 : i32 to index
        %get3A_394 = tpu.vector_load %arg8[%get3A_392, %get3A_393] {strides = array<i32>} : memref<2x8192xf32, #tpu.memory_space<vmem>>, vector<1x16xf32>,
        %get3A_395 = vector.shape_cast %get3A_394 : vector<1x16xf32> to vector<16xf32>
        %get3A_396 = arith.constant 0 : i32
        %get3A_397 = arith.index_cast %get3A_396 : i32 to index
        %get3A_398 = arith.index_cast %add3A_390 : i32 to index
        %get3A_399 = tpu.vector_load %arg10[%get3A_397, %get3A_398] {strides = array<i32>} : memref<2x8192xf32, #tpu.memory_space<vmem>>, vector<1x16xf32>,
        %get3A_400 = vector.shape_cast %get3A_399 : vector<1x16xf32> to vector<16xf32>
        %add3A_401 = arith.addf %get3A_395, %get3A_400 : vector<16xf32>
        %swap3A_402 = arith.constant 0 : i32
        %swap3A_403 = arith.index_cast %swap3A_402 : i32 to index
        %swap3A_404 = arith.index_cast %add3A_390 : i32 to index
        %swap3A_405 = tpu.vector_load %arg12[%swap3A_403, %swap3A_404] {strides = array<i32>} : memref<2x8192xf32, #tpu.memory_space<vmem>>, vector<1x16xf32>,
        %swap3A_406 = vector.shape_cast %swap3A_405 : vector<1x16xf32> to vector<16xf32>
        %swap3A_407 = vector.shape_cast %add3A_401 : vector<16xf32> to vector<1x16xf32>
        tpu.vector_store %arg12[%swap3A_403, %swap3A_404], %swap3A_407 {strides = array<i32>} : memref<2x8192xf32, #tpu.memory_space<vmem>>, vector<1x16xf32>,
        %mul3A_408 = arith.constant 128 : i32
        %mul3A_409 = arith.muli %scan3A_367, %mul3A_408 : i32
        %add3A_410 = arith.constant 32 : i32
        %add3A_411 = arith.addi %mul3A_409, %add3A_410 : i32
        %get3A_412 = arith.constant 0 : i32
        %get3A_413 = arith.index_cast %get3A_412 : i32 to index
        %get3A_414 = arith.index_cast %add3A_411 : i32 to index
        %get3A_415 = tpu.vector_load %arg8[%get3A_413, %get3A_414] {strides = array<i32>} : memref<2x8192xf32, #tpu.memory_space<vmem>>, vector<1x16xf32>,
        %get3A_416 = vector.shape_cast %get3A_415 : vector<1x16xf32> to vector<16xf32>
        %get3A_417 = arith.constant 0 : i32
        %get3A_418 = arith.index_cast %get3A_417 : i32 to index
        %get3A_419 = arith.index_cast %add3A_411 : i32 to index
        %get3A_420 = tpu.vector_load %arg10[%get3A_418, %get3A_419] {strides = array<i32>} : memref<2x8192xf32, #tpu.memory_space<vmem>>, vector<1x16xf32>,
        %get3A_421 = vector.shape_cast %get3A_420 : vector<1x16xf32> to vector<16xf32>
        %add3A_422 = arith.addf %get3A_416, %get3A_421 : vector<16xf32>
        %swap3A_423 = arith.constant 0 : i32
        %swap3A_424 = arith.index_cast %swap3A_423 : i32 to index
        %swap3A_425 = arith.index_cast %add3A_411 : i32 to index
        %swap3A_426 = tpu.vector_load %arg12[%swap3A_424, %swap3A_425] {strides = array<i32>} : memref<2x8192xf32, #tpu.memory_space<vmem>>, vector<1x16xf32>,
        %swap3A_427 = vector.shape_cast %swap3A_426 : vector<1x16xf32> to vector<16xf32>
        %swap3A_428 = vector.shape_cast %add3A_422 : vector<16xf32> to vector<1x16xf32>
        tpu.vector_store %arg12[%swap3A_424, %swap3A_425], %swap3A_428 {strides = array<i32>} : memref<2x8192xf32, #tpu.memory_space<vmem>>, vector<1x16xf32>,
        %mul3A_429 = arith.constant 128 : i32
        %mul3A_430 = arith.muli %scan3A_367, %mul3A_429 : i32
        %add3A_431 = arith.constant 48 : i32
        %add3A_432 = arith.addi %mul3A_430, %add3A_431 : i32
        %get3A_433 = arith.constant 0 : i32
        %get3A_434 = arith.index_cast %get3A_433 : i32 to index
        %get3A_435 = arith.index_cast %add3A_432 : i32 to index
        %get3A_436 = tpu.vector_load %arg8[%get3A_434, %get3A_435] {strides = array<i32>} : memref<2x8192xf32, #tpu.memory_space<vmem>>, vector<1x16xf32>,
        %get3A_437 = vector.shape_cast %get3A_436 : vector<1x16xf32> to vector<16xf32>
        %get3A_438 = arith.constant 0 : i32
        %get3A_439 = arith.index_cast %get3A_438 : i32 to index
        %get3A_440 = arith.index_cast %add3A_432 : i32 to index
        %get3A_441 = tpu.vector_load %arg10[%get3A_439, %get3A_440] {strides = array<i32>} : memref<2x8192xf32, #tpu.memory_space<vmem>>, vector<1x16xf32>,
        %get3A_442 = vector.shape_cast %get3A_441 : vector<1x16xf32> to vector<16xf32>
        %add3A_443 = arith.addf %get3A_437, %get3A_442 : vector<16xf32>
        %swap3A_444 = arith.constant 0 : i32
        %swap3A_445 = arith.index_cast %swap3A_444 : i32 to index
        %swap3A_446 = arith.index_cast %add3A_432 : i32 to index
        %swap3A_447 = tpu.vector_load %arg12[%swap3A_445, %swap3A_446] {strides = array<i32>} : memref<2x8192xf32, #tpu.memory_space<vmem>>, vector<1x16xf32>,
        %swap3A_448 = vector.shape_cast %swap3A_447 : vector<1x16xf32> to vector<16xf32>
        %swap3A_449 = vector.shape_cast %add3A_443 : vector<16xf32> to vector<1x16xf32>
        tpu.vector_store %arg12[%swap3A_445, %swap3A_446], %swap3A_449 {strides = array<i32>} : memref<2x8192xf32, #tpu.memory_space<vmem>>, vector<1x16xf32>,
        %mul3A_450 = arith.constant 128 : i32
        %mul3A_451 = arith.muli %scan3A_367, %mul3A_450 : i32
        %add3A_452 = arith.constant 64 : i32
        %add3A_453 = arith.addi %mul3A_451, %add3A_452 : i32
        %get3A_454 = arith.constant 0 : i32
        %get3A_455 = arith.index_cast %get3A_454 : i32 to index
        %get3A_456 = arith.index_cast %add3A_453 : i32 to index
        %get3A_457 = tpu.vector_load %arg8[%get3A_455, %get3A_456] {strides = array<i32>} : memref<2x8192xf32, #tpu.memory_space<vmem>>, vector<1x16xf32>,
        %get3A_458 = vector.shape_cast %get3A_457 : vector<1x16xf32> to vector<16xf32>
        %get3A_459 = arith.constant 0 : i32
        %get3A_460 = arith.index_cast %get3A_459 : i32 to index
        %get3A_461 = arith.index_cast %add3A_453 : i32 to index
        %get3A_462 = tpu.vector_load %arg10[%get3A_460, %get3A_461] {strides = array<i32>} : memref<2x8192xf32, #tpu.memory_space<vmem>>, vector<1x16xf32>,
        %get3A_463 = vector.shape_cast %get3A_462 : vector<1x16xf32> to vector<16xf32>
        %add3A_464 = arith.addf %get3A_458, %get3A_463 : vector<16xf32>
        %swap3A_465 = arith.constant 0 : i32
        %swap3A_466 = arith.index_cast %swap3A_465 : i32 to index
        %swap3A_467 = arith.index_cast %add3A_453 : i32 to index
        %swap3A_468 = tpu.vector_load %arg12[%swap3A_466, %swap3A_467] {strides = array<i32>} : memref<2x8192xf32, #tpu.memory_space<vmem>>, vector<1x16xf32>,
        %swap3A_469 = vector.shape_cast %swap3A_468 : vector<1x16xf32> to vector<16xf32>
        %swap3A_470 = vector.shape_cast %add3A_464 : vector<16xf32> to vector<1x16xf32>
        tpu.vector_store %arg12[%swap3A_466, %swap3A_467], %swap3A_470 {strides = array<i32>} : memref<2x8192xf32, #tpu.memory_space<vmem>>, vector<1x16xf32>,
        %mul3A_471 = arith.constant 128 : i32
        %mul3A_472 = arith.muli %scan3A_367, %mul3A_471 : i32
        %add3A_473 = arith.constant 80 : i32
        %add3A_474 = arith.addi %mul3A_472, %add3A_473 : i32
        %get3A_475 = arith.constant 0 : i32
        %get3A_476 = arith.index_cast %get3A_475 : i32 to index
        %get3A_477 = arith.index_cast %add3A_474 : i32 to index
        %get3A_478 = tpu.vector_load %arg8[%get3A_476, %get3A_477] {strides = array<i32>} : memref<2x8192xf32, #tpu.memory_space<vmem>>, vector<1x16xf32>,
        %get3A_479 = vector.shape_cast %get3A_478 : vector<1x16xf32> to vector<16xf32>
        %get3A_480 = arith.constant 0 : i32
        %get3A_481 = arith.index_cast %get3A_480 : i32 to index
        %get3A_482 = arith.index_cast %add3A_474 : i32 to index
        %get3A_483 = tpu.vector_load %arg10[%get3A_481, %get3A_482] {strides = array<i32>} : memref<2x8192xf32, #tpu.memory_space<vmem>>, vector<1x16xf32>,
        %get3A_484 = vector.shape_cast %get3A_483 : vector<1x16xf32> to vector<16xf32>
        %add3A_485 = arith.addf %get3A_479, %get3A_484 : vector<16xf32>
        %swap3A_486 = arith.constant 0 : i32
        %swap3A_487 = arith.index_cast %swap3A_486 : i32 to index
        %swap3A_488 = arith.index_cast %add3A_474 : i32 to index
        %swap3A_489 = tpu.vector_load %arg12[%swap3A_487, %swap3A_488] {strides = array<i32>} : memref<2x8192xf32, #tpu.memory_space<vmem>>, vector<1x16xf32>,
        %swap3A_490 = vector.shape_cast %swap3A_489 : vector<1x16xf32> to vector<16xf32>
        %swap3A_491 = vector.shape_cast %add3A_485 : vector<16xf32> to vector<1x16xf32>
        tpu.vector_store %arg12[%swap3A_487, %swap3A_488], %swap3A_491 {strides = array<i32>} : memref<2x8192xf32, #tpu.memory_space<vmem>>, vector<1x16xf32>,
        %mul3A_492 = arith.constant 128 : i32
        %mul3A_493 = arith.muli %scan3A_367, %mul3A_492 : i32
        %add3A_494 = arith.constant 96 : i32
        %add3A_495 = arith.addi %mul3A_493, %add3A_494 : i32
        %get3A_496 = arith.constant 0 : i32
        %get3A_497 = arith.index_cast %get3A_496 : i32 to index
        %get3A_498 = arith.index_cast %add3A_495 : i32 to index
        %get3A_499 = tpu.vector_load %arg8[%get3A_497, %get3A_498] {strides = array<i32>} : memref<2x8192xf32, #tpu.memory_space<vmem>>, vector<1x16xf32>,
        %get3A_500 = vector.shape_cast %get3A_499 : vector<1x16xf32> to vector<16xf32>
        %get3A_501 = arith.constant 0 : i32
        %get3A_502 = arith.index_cast %get3A_501 : i32 to index
        %get3A_503 = arith.index_cast %add3A_495 : i32 to index
        %get3A_504 = tpu.vector_load %arg10[%get3A_502, %get3A_503] {strides = array<i32>} : memref<2x8192xf32, #tpu.memory_space<vmem>>, vector<1x16xf32>,
        %get3A_505 = vector.shape_cast %get3A_504 : vector<1x16xf32> to vector<16xf32>
        %add3A_506 = arith.addf %get3A_500, %get3A_505 : vector<16xf32>
        %swap3A_507 = arith.constant 0 : i32
        %swap3A_508 = arith.index_cast %swap3A_507 : i32 to index
        %swap3A_509 = arith.index_cast %add3A_495 : i32 to index
        %swap3A_510 = tpu.vector_load %arg12[%swap3A_508, %swap3A_509] {strides = array<i32>} : memref<2x8192xf32, #tpu.memory_space<vmem>>, vector<1x16xf32>,
        %swap3A_511 = vector.shape_cast %swap3A_510 : vector<1x16xf32> to vector<16xf32>
        %swap3A_512 = vector.shape_cast %add3A_506 : vector<16xf32> to vector<1x16xf32>
        tpu.vector_store %arg12[%swap3A_508, %swap3A_509], %swap3A_512 {strides = array<i32>} : memref<2x8192xf32, #tpu.memory_space<vmem>>, vector<1x16xf32>,
        %mul3A_513 = arith.constant 128 : i32
        %mul3A_514 = arith.muli %scan3A_367, %mul3A_513 : i32
        %add3A_515 = arith.constant 112 : i32
        %add3A_516 = arith.addi %mul3A_514, %add3A_515 : i32
        %get3A_517 = arith.constant 0 : i32
        %get3A_518 = arith.index_cast %get3A_517 : i32 to index
        %get3A_519 = arith.index_cast %add3A_516 : i32 to index
        %get3A_520 = tpu.vector_load %arg8[%get3A_518, %get3A_519] {strides = array<i32>} : memref<2x8192xf32, #tpu.memory_space<vmem>>, vector<1x16xf32>,
        %get3A_521 = vector.shape_cast %get3A_520 : vector<1x16xf32> to vector<16xf32>
        %get3A_522 = arith.constant 0 : i32
        %get3A_523 = arith.index_cast %get3A_522 : i32 to index
        %get3A_524 = arith.index_cast %add3A_516 : i32 to index
        %get3A_525 = tpu.vector_load %arg10[%get3A_523, %get3A_524] {strides = array<i32>} : memref<2x8192xf32, #tpu.memory_space<vmem>>, vector<1x16xf32>,
        %get3A_526 = vector.shape_cast %get3A_525 : vector<1x16xf32> to vector<16xf32>
        %add3A_527 = arith.addf %get3A_521, %get3A_526 : vector<16xf32>
        %swap3A_528 = arith.constant 0 : i32
        %swap3A_529 = arith.index_cast %swap3A_528 : i32 to index
        %swap3A_530 = arith.index_cast %add3A_516 : i32 to index
        %swap3A_531 = tpu.vector_load %arg12[%swap3A_529, %swap3A_530] {strides = array<i32>} : memref<2x8192xf32, #tpu.memory_space<vmem>>, vector<1x16xf32>,
        %swap3A_532 = vector.shape_cast %swap3A_531 : vector<1x16xf32> to vector<16xf32>
        %swap3A_533 = vector.shape_cast %add3A_527 : vector<16xf32> to vector<1x16xf32>
        tpu.vector_store %arg12[%swap3A_529, %swap3A_530], %swap3A_533 {strides = array<i32>} : memref<2x8192xf32, #tpu.memory_space<vmem>>, vector<1x16xf32>,
      }
      %scan3A_317 = arith.constant 64 : i32
      %scan3A_318 = arith.constant 0 : i32
      %scan3A_319 = arith.constant 0 : i32
      %scan3A_320 = arith.constant 64 : i32
      %scan3A_321 = arith.addi %scan3A_319, %scan3A_320 : i32
      %scan3A_322 = arith.constant 1 : i32
      scf.for %scan3A_367 = %scan3A_319 to %scan3A_321 step %scan3A_322  : i32 {
        %mul3A_368 = arith.constant 128 : i32
        %mul3A_369 = arith.muli %scan3A_367, %mul3A_368 : i32
        %add3A_370 = arith.constant 0 : i32
        %add3A_371 = arith.addi %mul3A_369, %add3A_370 : i32
        %get3A = arith.constant 1 : i32
        %get3A_372 = arith.index_cast %get3A : i32 to index
        %get3A_373 = arith.index_cast %add3A_371 : i32 to index
        %get3A_374 = tpu.vector_load %arg8[%get3A_372, %get3A_373] {strides = array<i32>} : memref<2x8192xf32, #tpu.memory_space<vmem>>, vector<1x16xf32>,
        %get3A_375 = vector.shape_cast %get3A_374 : vector<1x16xf32> to vector<16xf32>
        %get3A_376 = arith.constant 1 : i32
        %get3A_377 = arith.index_cast %get3A_376 : i32 to index
        %get3A_378 = arith.index_cast %add3A_371 : i32 to index
        %get3A_379 = tpu.vector_load %arg10[%get3A_377, %get3A_378] {strides = array<i32>} : memref<2x8192xf32, #tpu.memory_space<vmem>>, vector<1x16xf32>,
        %get3A_380 = vector.shape_cast %get3A_379 : vector<1x16xf32> to vector<16xf32>
        %add3A_381 = arith.addf %get3A_375, %get3A_380 : vector<16xf32>
        %swap3A = arith.constant 1 : i32
        %swap3A_382 = arith.index_cast %swap3A : i32 to index
        %swap3A_383 = arith.index_cast %add3A_371 : i32 to index
        %swap3A_384 = tpu.vector_load %arg12[%swap3A_382, %swap3A_383] {strides = array<i32>} : memref<2x8192xf32, #tpu.memory_space<vmem>>, vector<1x16xf32>,
        %swap3A_385 = vector.shape_cast %swap3A_384 : vector<1x16xf32> to vector<16xf32>
        %swap3A_386 = vector.shape_cast %add3A_381 : vector<16xf32> to vector<1x16xf32>
        tpu.vector_store %arg12[%swap3A_382, %swap3A_383], %swap3A_386 {strides = array<i32>} : memref<2x8192xf32, #tpu.memory_space<vmem>>, vector<1x16xf32>,
        %mul3A_387 = arith.constant 128 : i32
        %mul3A_388 = arith.muli %scan3A_367, %mul3A_387 : i32
        %add3A_389 = arith.constant 16 : i32
        %add3A_390 = arith.addi %mul3A_388, %add3A_389 : i32
        %get3A_391 = arith.constant 1 : i32
        %get3A_392 = arith.index_cast %get3A_391 : i32 to index
        %get3A_393 = arith.index_cast %add3A_390 : i32 to index
        %get3A_394 = tpu.vector_load %arg8[%get3A_392, %get3A_393] {strides = array<i32>} : memref<2x8192xf32, #tpu.memory_space<vmem>>, vector<1x16xf32>,
        %get3A_395 = vector.shape_cast %get3A_394 : vector<1x16xf32> to vector<16xf32>
        %get3A_396 = arith.constant 1 : i32
        %get3A_397 = arith.index_cast %get3A_396 : i32 to index
        %get3A_398 = arith.index_cast %add3A_390 : i32 to index
        %get3A_399 = tpu.vector_load %arg10[%get3A_397, %get3A_398] {strides = array<i32>} : memref<2x8192xf32, #tpu.memory_space<vmem>>, vector<1x16xf32>,
        %get3A_400 = vector.shape_cast %get3A_399 : vector<1x16xf32> to vector<16xf32>
        %add3A_401 = arith.addf %get3A_395, %get3A_400 : vector<16xf32>
        %swap3A_402 = arith.constant 1 : i32
        %swap3A_403 = arith.index_cast %swap3A_402 : i32 to index
        %swap3A_404 = arith.index_cast %add3A_390 : i32 to index
        %swap3A_405 = tpu.vector_load %arg12[%swap3A_403, %swap3A_404] {strides = array<i32>} : memref<2x8192xf32, #tpu.memory_space<vmem>>, vector<1x16xf32>,
        %swap3A_406 = vector.shape_cast %swap3A_405 : vector<1x16xf32> to vector<16xf32>
        %swap3A_407 = vector.shape_cast %add3A_401 : vector<16xf32> to vector<1x16xf32>
        tpu.vector_store %arg12[%swap3A_403, %swap3A_404], %swap3A_407 {strides = array<i32>} : memref<2x8192xf32, #tpu.memory_space<vmem>>, vector<1x16xf32>,
        %mul3A_408 = arith.constant 128 : i32
        %mul3A_409 = arith.muli %scan3A_367, %mul3A_408 : i32
        %add3A_410 = arith.constant 32 : i32
        %add3A_411 = arith.addi %mul3A_409, %add3A_410 : i32
        %get3A_412 = arith.constant 1 : i32
        %get3A_413 = arith.index_cast %get3A_412 : i32 to index
        %get3A_414 = arith.index_cast %add3A_411 : i32 to index
        %get3A_415 = tpu.vector_load %arg8[%get3A_413, %get3A_414] {strides = array<i32>} : memref<2x8192xf32, #tpu.memory_space<vmem>>, vector<1x16xf32>,
        %get3A_416 = vector.shape_cast %get3A_415 : vector<1x16xf32> to vector<16xf32>
        %get3A_417 = arith.constant 1 : i32
        %get3A_418 = arith.index_cast %get3A_417 : i32 to index
        %get3A_419 = arith.index_cast %add3A_411 : i32 to index
        %get3A_420 = tpu.vector_load %arg10[%get3A_418, %get3A_419] {strides = array<i32>} : memref<2x8192xf32, #tpu.memory_space<vmem>>, vector<1x16xf32>,
        %get3A_421 = vector.shape_cast %get3A_420 : vector<1x16xf32> to vector<16xf32>
        %add3A_422 = arith.addf %get3A_416, %get3A_421 : vector<16xf32>
        %swap3A_423 = arith.constant 1 : i32
        %swap3A_424 = arith.index_cast %swap3A_423 : i32 to index
        %swap3A_425 = arith.index_cast %add3A_411 : i32 to index
        %swap3A_426 = tpu.vector_load %arg12[%swap3A_424, %swap3A_425] {strides = array<i32>} : memref<2x8192xf32, #tpu.memory_space<vmem>>, vector<1x16xf32>,
        %swap3A_427 = vector.shape_cast %swap3A_426 : vector<1x16xf32> to vector<16xf32>
        %swap3A_428 = vector.shape_cast %add3A_422 : vector<16xf32> to vector<1x16xf32>
        tpu.vector_store %arg12[%swap3A_424, %swap3A_425], %swap3A_428 {strides = array<i32>} : memref<2x8192xf32, #tpu.memory_space<vmem>>, vector<1x16xf32>,
        %mul3A_429 = arith.constant 128 : i32
        %mul3A_430 = arith.muli %scan3A_367, %mul3A_429 : i32
        %add3A_431 = arith.constant 48 : i32
        %add3A_432 = arith.addi %mul3A_430, %add3A_431 : i32
        %get3A_433 = arith.constant 1 : i32
        %get3A_434 = arith.index_cast %get3A_433 : i32 to index
        %get3A_435 = arith.index_cast %add3A_432 : i32 to index
        %get3A_436 = tpu.vector_load %arg8[%get3A_434, %get3A_435] {strides = array<i32>} : memref<2x8192xf32, #tpu.memory_space<vmem>>, vector<1x16xf32>,
        %get3A_437 = vector.shape_cast %get3A_436 : vector<1x16xf32> to vector<16xf32>
        %get3A_438 = arith.constant 1 : i32
        %get3A_439 = arith.index_cast %get3A_438 : i32 to index
        %get3A_440 = arith.index_cast %add3A_432 : i32 to index
        %get3A_441 = tpu.vector_load %arg10[%get3A_439, %get3A_440] {strides = array<i32>} : memref<2x8192xf32, #tpu.memory_space<vmem>>, vector<1x16xf32>,
        %get3A_442 = vector.shape_cast %get3A_441 : vector<1x16xf32> to vector<16xf32>
        %add3A_443 = arith.addf %get3A_437, %get3A_442 : vector<16xf32>
        %swap3A_444 = arith.constant 1 : i32
        %swap3A_445 = arith.index_cast %swap3A_444 : i32 to index
        %swap3A_446 = arith.index_cast %add3A_432 : i32 to index
        %swap3A_447 = tpu.vector_load %arg12[%swap3A_445, %swap3A_446] {strides = array<i32>} : memref<2x8192xf32, #tpu.memory_space<vmem>>, vector<1x16xf32>,
        %swap3A_448 = vector.shape_cast %swap3A_447 : vector<1x16xf32> to vector<16xf32>
        %swap3A_449 = vector.shape_cast %add3A_443 : vector<16xf32> to vector<1x16xf32>
        tpu.vector_store %arg12[%swap3A_445, %swap3A_446], %swap3A_449 {strides = array<i32>} : memref<2x8192xf32, #tpu.memory_space<vmem>>, vector<1x16xf32>,
        %mul3A_450 = arith.constant 128 : i32
        %mul3A_451 = arith.muli %scan3A_367, %mul3A_450 : i32
        %add3A_452 = arith.constant 64 : i32
        %add3A_453 = arith.addi %mul3A_451, %add3A_452 : i32
        %get3A_454 = arith.constant 1 : i32
        %get3A_455 = arith.index_cast %get3A_454 : i32 to index
        %get3A_456 = arith.index_cast %add3A_453 : i32 to index
        %get3A_457 = tpu.vector_load %arg8[%get3A_455, %get3A_456] {strides = array<i32>} : memref<2x8192xf32, #tpu.memory_space<vmem>>, vector<1x16xf32>,
        %get3A_458 = vector.shape_cast %get3A_457 : vector<1x16xf32> to vector<16xf32>
        %get3A_459 = arith.constant 1 : i32
        %get3A_460 = arith.index_cast %get3A_459 : i32 to index
        %get3A_461 = arith.index_cast %add3A_453 : i32 to index
        %get3A_462 = tpu.vector_load %arg10[%get3A_460, %get3A_461] {strides = array<i32>} : memref<2x8192xf32, #tpu.memory_space<vmem>>, vector<1x16xf32>,
        %get3A_463 = vector.shape_cast %get3A_462 : vector<1x16xf32> to vector<16xf32>
        %add3A_464 = arith.addf %get3A_458, %get3A_463 : vector<16xf32>
        %swap3A_465 = arith.constant 1 : i32
        %swap3A_466 = arith.index_cast %swap3A_465 : i32 to index
        %swap3A_467 = arith.index_cast %add3A_453 : i32 to index
        %swap3A_468 = tpu.vector_load %arg12[%swap3A_466, %swap3A_467] {strides = array<i32>} : memref<2x8192xf32, #tpu.memory_space<vmem>>, vector<1x16xf32>,
        %swap3A_469 = vector.shape_cast %swap3A_468 : vector<1x16xf32> to vector<16xf32>
        %swap3A_470 = vector.shape_cast %add3A_464 : vector<16xf32> to vector<1x16xf32>
        tpu.vector_store %arg12[%swap3A_466, %swap3A_467], %swap3A_470 {strides = array<i32>} : memref<2x8192xf32, #tpu.memory_space<vmem>>, vector<1x16xf32>,
        %mul3A_471 = arith.constant 128 : i32
        %mul3A_472 = arith.muli %scan3A_367, %mul3A_471 : i32
        %add3A_473 = arith.constant 80 : i32
        %add3A_474 = arith.addi %mul3A_472, %add3A_473 : i32
        %get3A_475 = arith.constant 1 : i32
        %get3A_476 = arith.index_cast %get3A_475 : i32 to index
        %get3A_477 = arith.index_cast %add3A_474 : i32 to index
        %get3A_478 = tpu.vector_load %arg8[%get3A_476, %get3A_477] {strides = array<i32>} : memref<2x8192xf32, #tpu.memory_space<vmem>>, vector<1x16xf32>,
        %get3A_479 = vector.shape_cast %get3A_478 : vector<1x16xf32> to vector<16xf32>
        %get3A_480 = arith.constant 1 : i32
        %get3A_481 = arith.index_cast %get3A_480 : i32 to index
        %get3A_482 = arith.index_cast %add3A_474 : i32 to index
        %get3A_483 = tpu.vector_load %arg10[%get3A_481, %get3A_482] {strides = array<i32>} : memref<2x8192xf32, #tpu.memory_space<vmem>>, vector<1x16xf32>,
        %get3A_484 = vector.shape_cast %get3A_483 : vector<1x16xf32> to vector<16xf32>
        %add3A_485 = arith.addf %get3A_479, %get3A_484 : vector<16xf32>
        %swap3A_486 = arith.constant 1 : i32
        %swap3A_487 = arith.index_cast %swap3A_486 : i32 to index
        %swap3A_488 = arith.index_cast %add3A_474 : i32 to index
        %swap3A_489 = tpu.vector_load %arg12[%swap3A_487, %swap3A_488] {strides = array<i32>} : memref<2x8192xf32, #tpu.memory_space<vmem>>, vector<1x16xf32>,
        %swap3A_490 = vector.shape_cast %swap3A_489 : vector<1x16xf32> to vector<16xf32>
        %swap3A_491 = vector.shape_cast %add3A_485 : vector<16xf32> to vector<1x16xf32>
        tpu.vector_store %arg12[%swap3A_487, %swap3A_488], %swap3A_491 {strides = array<i32>} : memref<2x8192xf32, #tpu.memory_space<vmem>>, vector<1x16xf32>,
        %mul3A_492 = arith.constant 128 : i32
        %mul3A_493 = arith.muli %scan3A_367, %mul3A_492 : i32
        %add3A_494 = arith.constant 96 : i32
        %add3A_495 = arith.addi %mul3A_493, %add3A_494 : i32
        %get3A_496 = arith.constant 1 : i32
        %get3A_497 = arith.index_cast %get3A_496 : i32 to index
        %get3A_498 = arith.index_cast %add3A_495 : i32 to index
        %get3A_499 = tpu.vector_load %arg8[%get3A_497, %get3A_498] {strides = array<i32>} : memref<2x8192xf32, #tpu.memory_space<vmem>>, vector<1x16xf32>,
        %get3A_500 = vector.shape_cast %get3A_499 : vector<1x16xf32> to vector<16xf32>
        %get3A_501 = arith.constant 1 : i32
        %get3A_502 = arith.index_cast %get3A_501 : i32 to index
        %get3A_503 = arith.index_cast %add3A_495 : i32 to index
        %get3A_504 = tpu.vector_load %arg10[%get3A_502, %get3A_503] {strides = array<i32>} : memref<2x8192xf32, #tpu.memory_space<vmem>>, vector<1x16xf32>,
        %get3A_505 = vector.shape_cast %get3A_504 : vector<1x16xf32> to vector<16xf32>
        %add3A_506 = arith.addf %get3A_500, %get3A_505 : vector<16xf32>
        %swap3A_507 = arith.constant 1 : i32
        %swap3A_508 = arith.index_cast %swap3A_507 : i32 to index
        %swap3A_509 = arith.index_cast %add3A_495 : i32 to index
        %swap3A_510 = tpu.vector_load %arg12[%swap3A_508, %swap3A_509] {strides = array<i32>} : memref<2x8192xf32, #tpu.memory_space<vmem>>, vector<1x16xf32>,
        %swap3A_511 = vector.shape_cast %swap3A_510 : vector<1x16xf32> to vector<16xf32>
        %swap3A_512 = vector.shape_cast %add3A_506 : vector<16xf32> to vector<1x16xf32>
        tpu.vector_store %arg12[%swap3A_508, %swap3A_509], %swap3A_512 {strides = array<i32>} : memref<2x8192xf32, #tpu.memory_space<vmem>>, vector<1x16xf32>,
        %mul3A_513 = arith.constant 128 : i32
        %mul3A_514 = arith.muli %scan3A_367, %mul3A_513 : i32
        %add3A_515 = arith.constant 112 : i32
        %add3A_516 = arith.addi %mul3A_514, %add3A_515 : i32
        %get3A_517 = arith.constant 1 : i32
        %get3A_518 = arith.index_cast %get3A_517 : i32 to index
        %get3A_519 = arith.index_cast %add3A_516 : i32 to index
        %get3A_520 = tpu.vector_load %arg8[%get3A_518, %get3A_519] {strides = array<i32>} : memref<2x8192xf32, #tpu.memory_space<vmem>>, vector<1x16xf32>,
        %get3A_521 = vector.shape_cast %get3A_520 : vector<1x16xf32> to vector<16xf32>
        %get3A_522 = arith.constant 1 : i32
        %get3A_523 = arith.index_cast %get3A_522 : i32 to index
        %get3A_524 = arith.index_cast %add3A_516 : i32 to index
        %get3A_525 = tpu.vector_load %arg10[%get3A_523, %get3A_524] {strides = array<i32>} : memref<2x8192xf32, #tpu.memory_space<vmem>>, vector<1x16xf32>,
        %get3A_526 = vector.shape_cast %get3A_525 : vector<1x16xf32> to vector<16xf32>
        %add3A_527 = arith.addf %get3A_521, %get3A_526 : vector<16xf32>
        %swap3A_528 = arith.constant 1 : i32
        %swap3A_529 = arith.index_cast %swap3A_528 : i32 to index
        %swap3A_530 = arith.index_cast %add3A_516 : i32 to index
        %swap3A_531 = tpu.vector_load %arg12[%swap3A_529, %swap3A_530] {strides = array<i32>} : memref<2x8192xf32, #tpu.memory_space<vmem>>, vector<1x16xf32>,
        %swap3A_532 = vector.shape_cast %swap3A_531 : vector<1x16xf32> to vector<16xf32>
        %swap3A_533 = vector.shape_cast %add3A_527 : vector<16xf32> to vector<1x16xf32>
        tpu.vector_store %arg12[%swap3A_529, %swap3A_530], %swap3A_533 {strides = array<i32>} : memref<2x8192xf32, #tpu.memory_space<vmem>>, vector<1x16xf32>,
      }
      %scan3A_323 = arith.constant 64 : i32
      %add3A_324 = arith.constant 2 : i32
      %add3A_325 = arith.addi %add3A_208, %add3A_324 : i32
      %lt3A_326 = arith.constant 320 : i32
      %lt3A_327 = arith.cmpi slt, %add3A_325, %lt3A_326 : i32
      %convert_element_type3A_328 = arith.extui %lt3A_327 : i1 to i32
      %cond3A_329 = arith.constant 0 : i32
      %cond3A_330 = arith.cmpi ne, %convert_element_type3A_328, %cond3A_329 : i32
      scf.if %cond3A_330 {
        %add3A_367 = arith.constant 2 : i32
        %add3A_368 = arith.addi %add3A_208, %add3A_367 : i32
        %jit3A_369 = arith.constant 2 : i32
        %eq3A_370 = arith.constant 0 : i32
        %eq3A_371 = arith.cmpi eq, %jit3A_369, %eq3A_370 : i32
        %jit3A_372 = arith.constant 1 : i32
        %select_n3A_373 = arith.select %eq3A_371, %jit3A_372, %jit3A_369 : i32
        %rem3A_374 = arith.remsi %add3A_368, %select_n3A_373 : i32
        %ne3A_375 = arith.constant 0 : i32
        %ne3A_376 = arith.cmpi ne, %rem3A_374, %ne3A_375 : i32
        %lt3A_377 = arith.constant 0 : i32
        %lt3A_378 = arith.cmpi slt, %rem3A_374, %lt3A_377 : i32
        %lt3A_379 = arith.constant 0 : i32
        %lt3A_380 = arith.cmpi slt, %select_n3A_373, %lt3A_379 : i32
        %ne3A_381 = arith.xori %lt3A_378, %lt3A_380 : i1
        %and3A_382 = arith.andi %ne3A_381, %ne3A_376 : i1
        %add3A_383 = arith.addi %rem3A_374, %select_n3A_373 : i32
        %select_n3A_384 = arith.select %and3A_382, %add3A_383, %rem3A_374 : i32
        %mul3A_385 = arith.constant 16 : i32
        %mul3A_386 = arith.muli %select_n3A_384, %mul3A_385 : i32
        %multiple_of3A_387 = tpu.assume_multiple %mul3A_386, 8 : i32
        %jit3A_388 = arith.constant 2 : i32
        %div3A_389 = arith.divsi %add3A_368, %jit3A_388 : i32
        %sign3A_390 = arith.constant 0 : i32
        %sign3A_391 = arith.cmpi sgt, %add3A_368, %sign3A_390 : i32
        %sign3A_392 = arith.extui %sign3A_391 : i1 to i32
        %sign3A_393 = arith.constant 0 : i32
        %sign3A_394 = arith.cmpi slt, %add3A_368, %sign3A_393 : i32
        %sign3A_395 = arith.extui %sign3A_394 : i1 to i32
        %sign3A_396 = arith.subi %sign3A_392, %sign3A_395 : i32
        %sign3A_397 = arith.constant 0 : i32
        %sign3A_398 = arith.cmpi sgt, %jit3A_388, %sign3A_397 : i32
        %sign3A_399 = arith.extui %sign3A_398 : i1 to i32
        %sign3A_400 = arith.constant 0 : i32
        %sign3A_401 = arith.cmpi slt, %jit3A_388, %sign3A_400 : i32
        %sign3A_402 = arith.extui %sign3A_401 : i1 to i32
        %sign3A_403 = arith.subi %sign3A_399, %sign3A_402 : i32
        %ne3A_404 = arith.cmpi ne, %sign3A_396, %sign3A_403 : i32
        %rem3A_405 = arith.remsi %add3A_368, %jit3A_388 : i32
        %ne3A_406 = arith.constant 0 : i32
        %ne3A_407 = arith.cmpi ne, %rem3A_405, %ne3A_406 : i32
        %and3A_408 = arith.andi %ne3A_404, %ne3A_407 : i1
        %sub3A_409 = arith.constant 1 : i32
        %sub3A_410 = arith.subi %div3A_389, %sub3A_409 : i32
        %select_n3A_411 = arith.select %and3A_408, %sub3A_410, %div3A_389 : i32
        %dma_start3A_412 = tpu.memref_slice %arg6[%select_n3A_411, %multiple_of3A_387] : memref<160x32xi32, #tpu.memory_space<vmem>> -> memref<1x2xi32, #tpu.memory_space<vmem>>
        %dma_start3A_413 = tpu.memref_squeeze %dma_start3A_412 : memref<1x2xi32, #tpu.memory_space<vmem>> -> memref<2xi32, #tpu.memory_space<vmem>>
        %dma_start3A_414 = arith.constant 0 : i32
        %dma_start3A_415 = arith.constant 0 : i32
        %dma_start3A_416 = tpu.memref_slice %arg2[%dma_start3A_414, %dma_start3A_415] : memref<50000x8192xf32, #tpu.memory_space<hbm>> -> memref<50000x8192xf32, #tpu.memory_space<hbm>>
        tpu.enqueue_indirect_dma source(%dma_start3A_416 : memref<50000x8192xf32, #tpu.memory_space<hbm>>) target(%arg8 : memref<2x8192xf32, #tpu.memory_space<vmem>>) offsets(%dma_start3A_413 : memref<2xi32, #tpu.memory_space<vmem>>) semaphore(%arg14 : memref<!tpu.dma_semaphore, #tpu.memory_space<semaphore_mem>>)
        %jit3A_417 = arith.constant 2 : i32
        %eq3A_418 = arith.constant 0 : i32
        %eq3A_419 = arith.cmpi eq, %jit3A_417, %eq3A_418 : i32
        %jit3A_420 = arith.constant 1 : i32
        %select_n3A_421 = arith.select %eq3A_419, %jit3A_420, %jit3A_417 : i32
        %rem3A_422 = arith.remsi %add3A_368, %select_n3A_421 : i32
        %ne3A_423 = arith.constant 0 : i32
        %ne3A_424 = arith.cmpi ne, %rem3A_422, %ne3A_423 : i32
        %lt3A_425 = arith.constant 0 : i32
        %lt3A_426 = arith.cmpi slt, %rem3A_422, %lt3A_425 : i32
        %lt3A_427 = arith.constant 0 : i32
        %lt3A_428 = arith.cmpi slt, %select_n3A_421, %lt3A_427 : i32
        %ne3A_429 = arith.xori %lt3A_426, %lt3A_428 : i1
        %and3A_430 = arith.andi %ne3A_429, %ne3A_424 : i1
        %add3A_431 = arith.addi %rem3A_422, %select_n3A_421 : i32
        %select_n3A_432 = arith.select %and3A_430, %add3A_431, %rem3A_422 : i32
        %mul3A_433 = arith.constant 16 : i32
        %mul3A_434 = arith.muli %select_n3A_432, %mul3A_433 : i32
        %add3A_435 = arith.constant 8 : i32
        %add3A_436 = arith.addi %mul3A_434, %add3A_435 : i32
        %multiple_of3A_437 = tpu.assume_multiple %add3A_436, 8 : i32
        %jit3A_438 = arith.constant 2 : i32
        %div3A_439 = arith.divsi %add3A_368, %jit3A_438 : i32
        %sign3A_440 = arith.constant 0 : i32
        %sign3A_441 = arith.cmpi sgt, %add3A_368, %sign3A_440 : i32
        %sign3A_442 = arith.extui %sign3A_441 : i1 to i32
        %sign3A_443 = arith.constant 0 : i32
        %sign3A_444 = arith.cmpi slt, %add3A_368, %sign3A_443 : i32
        %sign3A_445 = arith.extui %sign3A_444 : i1 to i32
        %sign3A_446 = arith.subi %sign3A_442, %sign3A_445 : i32
        %sign3A_447 = arith.constant 0 : i32
        %sign3A_448 = arith.cmpi sgt, %jit3A_438, %sign3A_447 : i32
        %sign3A_449 = arith.extui %sign3A_448 : i1 to i32
        %sign3A_450 = arith.constant 0 : i32
        %sign3A_451 = arith.cmpi slt, %jit3A_438, %sign3A_450 : i32
        %sign3A_452 = arith.extui %sign3A_451 : i1 to i32
        %sign3A_453 = arith.subi %sign3A_449, %sign3A_452 : i32
        %ne3A_454 = arith.cmpi ne, %sign3A_446, %sign3A_453 : i32
        %rem3A_455 = arith.remsi %add3A_368, %jit3A_438 : i32
        %ne3A_456 = arith.constant 0 : i32
        %ne3A_457 = arith.cmpi ne, %rem3A_455, %ne3A_456 : i32
        %and3A_458 = arith.andi %ne3A_454, %ne3A_457 : i1
        %sub3A_459 = arith.constant 1 : i32
        %sub3A_460 = arith.subi %div3A_439, %sub3A_459 : i32
        %select_n3A_461 = arith.select %and3A_458, %sub3A_460, %div3A_439 : i32
        %dma_start3A_462 = tpu.memref_slice %arg6[%select_n3A_461, %multiple_of3A_437] : memref<160x32xi32, #tpu.memory_space<vmem>> -> memref<1x2xi32, #tpu.memory_space<vmem>>
        %dma_start3A_463 = tpu.memref_squeeze %dma_start3A_462 : memref<1x2xi32, #tpu.memory_space<vmem>> -> memref<2xi32, #tpu.memory_space<vmem>>
        %dma_start3A_464 = arith.constant 0 : i32
        %dma_start3A_465 = arith.constant 0 : i32
        %dma_start3A_466 = tpu.memref_slice %arg3[%dma_start3A_464, %dma_start3A_465] : memref<50x8192xf32, #tpu.memory_space<hbm>> -> memref<50x8192xf32, #tpu.memory_space<hbm>>
        tpu.enqueue_indirect_dma source(%dma_start3A_466 : memref<50x8192xf32, #tpu.memory_space<hbm>>) target(%arg10 : memref<2x8192xf32, #tpu.memory_space<vmem>>) offsets(%dma_start3A_463 : memref<2xi32, #tpu.memory_space<vmem>>) semaphore(%arg16 : memref<!tpu.dma_semaphore, #tpu.memory_space<semaphore_mem>>)
      } else {
      }
      %jit3A_331 = arith.constant 16 : i32
      %div3A_332 = arith.divsi %add3A_208, %jit3A_331 : i32
      %sign3A_333 = arith.constant 0 : i32
      %sign3A_334 = arith.cmpi sgt, %add3A_208, %sign3A_333 : i32
      %sign3A_335 = arith.extui %sign3A_334 : i1 to i32
      %sign3A_336 = arith.constant 0 : i32
      %sign3A_337 = arith.cmpi slt, %add3A_208, %sign3A_336 : i32
      %sign3A_338 = arith.extui %sign3A_337 : i1 to i32
      %sign3A_339 = arith.subi %sign3A_335, %sign3A_338 : i32
      %sign3A_340 = arith.constant 0 : i32
      %sign3A_341 = arith.cmpi sgt, %jit3A_331, %sign3A_340 : i32
      %sign3A_342 = arith.extui %sign3A_341 : i1 to i32
      %sign3A_343 = arith.constant 0 : i32
      %sign3A_344 = arith.cmpi slt, %jit3A_331, %sign3A_343 : i32
      %sign3A_345 = arith.extui %sign3A_344 : i1 to i32
      %sign3A_346 = arith.subi %sign3A_342, %sign3A_345 : i32
      %ne3A_347 = arith.cmpi ne, %sign3A_339, %sign3A_346 : i32
      %rem3A_348 = arith.remsi %add3A_208, %jit3A_331 : i32
      %ne3A_349 = arith.constant 0 : i32
      %ne3A_350 = arith.cmpi ne, %rem3A_348, %ne3A_349 : i32
      %and3A_351 = arith.andi %ne3A_347, %ne3A_350 : i1
      %sub3A_352 = arith.constant 1 : i32
      %sub3A_353 = arith.subi %div3A_332, %sub3A_352 : i32
      %select_n3A_354 = arith.select %and3A_351, %sub3A_353, %div3A_332 : i32
      %mul3A_355 = arith.constant 16 : i32
      %mul3A_356 = arith.muli %select_n3A_354, %mul3A_355 : i32
      %sub3A_357 = arith.subi %add3A_208, %mul3A_356 : i32
      %mul3A_358 = arith.constant 2 : i32
      %mul3A_359 = arith.muli %sub3A_357, %mul3A_358 : i32
      %add3A_360 = arith.addi %mul3A_2, %mul3A_359 : i32
      %dma_start3A_361 = arith.constant 0 : i32
      %dma_start3A_362 = tpu.memref_slice %arg5[%select_n3A_354, %add3A_360, %dma_start3A_361] : memref<20x1024x8192xf32, #tpu.memory_space<hbm>> -> memref<1x2x8192xf32, #tpu.memory_space<hbm>>
      %dma_start3A_363 = tpu.memref_squeeze %dma_start3A_362 : memref<1x2x8192xf32, #tpu.memory_space<hbm>> -> memref<2x8192xf32, #tpu.memory_space<hbm>>
      %dma_start3A_364 = arith.constant 0 : i32
      %dma_start3A_365 = tpu.memref_slice %arg5[%select_n3A_354, %add3A_360, %dma_start3A_364] : memref<20x1024x8192xf32, #tpu.memory_space<hbm>> -> memref<1x2x8192xf32, #tpu.memory_space<hbm>>
      %dma_start3A_366 = tpu.memref_squeeze %dma_start3A_365 : memref<1x2x8192xf32, #tpu.memory_space<hbm>> -> memref<2x8192xf32, #tpu.memory_space<hbm>>
      tpu.enqueue_dma source(%arg12 : memref<2x8192xf32, #tpu.memory_space<vmem>>) target(%dma_start3A_366 : memref<2x8192xf32, #tpu.memory_space<hbm>>) target_semaphore(%arg18 : memref<!tpu.dma_semaphore, #tpu.memory_space<semaphore_mem>>)
    }
    %scan3A_37 = arith.constant 160 : i32
    %add3A_38 = arith.constant 28 : i32
    %add3A_39 = arith.addi %mul3A_2, %add3A_38 : i32
    %dma_wait3A = arith.constant 19 : i32
    %dma_wait3A_40 = arith.constant 0 : i32
    %dma_wait3A_41 = tpu.memref_slice %arg5[%dma_wait3A, %add3A_39, %dma_wait3A_40] : memref<20x1024x8192xf32, #tpu.memory_space<hbm>> -> memref<1x2x8192xf32, #tpu.memory_space<hbm>>
    %dma_wait3A_42 = tpu.memref_squeeze %dma_wait3A_41 : memref<1x2x8192xf32, #tpu.memory_space<hbm>> -> memref<2x8192xf32, #tpu.memory_space<hbm>>
    %dma_wait3A_43 = arith.constant 0 : i32
    %dma_wait3A_44 = tpu.memref_slice %arg5[%dma_wait3A, %add3A_39, %dma_wait3A_43] : memref<20x1024x8192xf32, #tpu.memory_space<hbm>> -> memref<1x2x8192xf32, #tpu.memory_space<hbm>>
    %dma_wait3A_45 = tpu.memref_squeeze %dma_wait3A_44 : memref<1x2x8192xf32, #tpu.memory_space<hbm>> -> memref<2x8192xf32, #tpu.memory_space<hbm>>
    tpu.wait_dma2 semaphore(%arg17 : memref<!tpu.dma_semaphore, #tpu.memory_space<semaphore_mem>>) src(%arg11 : memref<2x8192xf32, #tpu.memory_space<vmem>>) dst(%dma_wait3A_45 : memref<2x8192xf32, #tpu.memory_space<hbm>>)
    %add3A_46 = arith.constant 30 : i32
    %add3A_47 = arith.addi %mul3A_2, %add3A_46 : i32
    %dma_wait3A_48 = arith.constant 19 : i32
    %dma_wait3A_49 = arith.constant 0 : i32
    %dma_wait3A_50 = tpu.memref_slice %arg5[%dma_wait3A_48, %add3A_47, %dma_wait3A_49] : memref<20x1024x8192xf32, #tpu.memory_space<hbm>> -> memref<1x2x8192xf32, #tpu.memory_space<hbm>>
    %dma_wait3A_51 = tpu.memref_squeeze %dma_wait3A_50 : memref<1x2x8192xf32, #tpu.memory_space<hbm>> -> memref<2x8192xf32, #tpu.memory_space<hbm>>
    %dma_wait3A_52 = arith.constant 0 : i32
    %dma_wait3A_53 = tpu.memref_slice %arg5[%dma_wait3A_48, %add3A_47, %dma_wait3A_52] : memref<20x1024x8192xf32, #tpu.memory_space<hbm>> -> memref<1x2x8192xf32, #tpu.memory_space<hbm>>
    %dma_wait3A_54 = tpu.memref_squeeze %dma_wait3A_53 : memref<1x2x8192xf32, #tpu.memory_space<hbm>> -> memref<2x8192xf32, #tpu.memory_space<hbm>>
    tpu.wait_dma2 semaphore(%arg18 : memref<!tpu.dma_semaphore, #tpu.memory_space<semaphore_mem>>) src(%arg12 : memref<2x8192xf32, #tpu.memory_space<vmem>>) dst(%dma_wait3A_54 : memref<2x8192xf32, #tpu.memory_space<hbm>>)
    return
  }
}

module attributes {stable_mosaic.version = 14 : i64} {
  func.func @body(%arg0: i32, %arg1: memref<10x8192xf32, #tpu.memory_space<vmem>>, %arg2: memref<1x1x8192xf32, #tpu.memory_space<vmem>>, %arg3: memref<1x10x8192xf32, #tpu.memory_space<vmem>>) attributes {dimension_semantics = [#tpu.dimension_semantics<arbitrary>], iteration_bounds = array<i64: 5>, scalar_prefetch = 0 : i64, scratch_operands = 0 : i64, tpu.core_type = #tpu.core_type<tc>, window_params = [{pipeline_mode = #tpu.pipeline_mode<synchronous>, transform_indices = @transform_0, window_bounds = array<i64: 10, 8192>}, {transform_indices = @transform_1, window_bounds = array<i64: 1, 1, 8192>}, {transform_indices = @transform_2, window_bounds = array<i64: 1, 10, 8192>}]} {
    %get3A = arith.constant 0 : index
    %get3A_0 = arith.constant 0 : index
    %get3A_1 = vector.load %arg1[%get3A, %get3A_0] : memref<10x8192xf32, #tpu.memory_space<vmem>>, vector<10x8192xf32>
    %broadcast_in_dim3A = vector.shape_cast %get3A_1 : vector<10x8192xf32> to vector<1x10x8192xf32>
    %get3A_2 = arith.constant 0 : index
    %get3A_3 = arith.constant 0 : index
    %get3A_4 = arith.constant 0 : index
    %get3A_5 = vector.load %arg2[%get3A_2, %get3A_3, %get3A_4] : memref<1x1x8192xf32, #tpu.memory_space<vmem>>, vector<1x1x8192xf32>
    %add3A = vector.broadcast %get3A_5 : vector<1x1x8192xf32> to vector<1x10x8192xf32>
    %add3A_6 = arith.addf %broadcast_in_dim3A, %add3A : vector<1x10x8192xf32>
    %swap3A = arith.constant 0 : index
    %swap3A_7 = arith.constant 0 : index
    %swap3A_8 = arith.constant 0 : index
    %swap3A_9 = vector.load %arg3[%swap3A, %swap3A_7, %swap3A_8] : memref<1x10x8192xf32, #tpu.memory_space<vmem>>, vector<1x10x8192xf32>
    tpu.vector_store %arg3[%swap3A, %swap3A_7, %swap3A_8], %add3A_6 {strides = array<i32>} : memref<1x10x8192xf32, #tpu.memory_space<vmem>>, vector<1x10x8192xf32>,
    return
  }
  func.func @transform_0(%arg0: i32) -> (i32, i32) {
    %c0_i32 = arith.constant 0 : i32
    %c0_i32_0 = arith.constant 0 : i32
    %c0_i32_1 = arith.constant 0 : i32
    return %c0_i32, %c0_i32_0 : i32, i32
  }
  func.func @transform_1(%arg0: i32) -> (i32, i32, i32) {
    %c0_i32 = arith.constant 0 : i32
    %c0_i32_0 = arith.constant 0 : i32
    %c0_i32_1 = arith.constant 0 : i32
    return %arg0, %c0_i32, %c0_i32_0 : i32, i32, i32
  }
  func.func @transform_2(%arg0: i32) -> (i32, i32, i32) {
    %c0_i32 = arith.constant 0 : i32
    %c0_i32_0 = arith.constant 0 : i32
    %c0_i32_1 = arith.constant 0 : i32
    return %arg0, %c0_i32, %c0_i32_0 : i32, i32, i32
  }
}

</mosaic_0001>

<sc_bundles>
// kernel: kernel.4.cloned.1.call-start
scs
__scs_entry_jumppad:
0x0: {  	(pc) =	sbr.rel $0x88, $3  }
0x1: {  	(tag) =	ssettag $0x0;
	lr =	simm.s32 $0x1  }
0x2: {  	[smem:$0x3F9B] =	sst lr;
	_ =	strace $0xD0000000  }
0x3: {  	_ = 	snop  }
0x4: {  	_ = 	snop  }
0x5: {  	_ = 	snop  }
0x6: {  	_ = 	snop  }
0x7: {  	_ = 	snop  }
__scs_overlays_trampoline_lowered:
0x8: {  	[smem:$0x3FAA] =	sst s0  }
0x9: {  	[smem:$0x3FAB] =	sst s1  }
0xa: {  	[smem:$0x3FAC] =	sst s2  }
0xb: {  	[smem:$0x3FAD] =	sst s3  }
0xc: {  	[smem:$0x3FAE] =	sst s4  }
0xd: {  	[smem:$0x3FAF] =	sst s5  }
0xe: {  	[smem:$0x3FB0] =	sst s6  }
0xf: {  	[smem:$0x3FB1] =	sst s7  }
0x10: {  	[smem:$0x3FB2] =	sst s8  }
0x11: {  	[smem:$0x3FB3] =	sst s9;
	s0 =	simm.s32 @!p0 $0x0  }
0x12: {  	s1 =	sld [smem:$0x3F99];
	s0 =	simm.s32 @p0 $0x1  }
0x13: {  	[smem:$0x3FB4] =	sst s0;
	s0 =	simm.s32 @!p1 $0x0  }
0x14: {  	s2 =	sld [smem:$0x3F98];
	s0 =	simm.s32 @p1 $0x1  }
0x15: {  	[smem:$0x3FB5] =	sst s0;
	s0 =	simm.s32 @!p2 $0x0  }
0x16: {  	s3 =	sld [smem:$0x3FDB];
	s0 =	simm.s32 @p2 $0x1  }
0x17: {  	s4 =	simm.s32 $0x1BF5;
	[smem:$0x3FB7] =	sst s0  }
0x18: {  	s0 =	sld [smem:$0x3F9A];
	_ =	swait.ge [sflag:s4], $0x0  }
0x19: {  	s7 =	sld [smem:$0x3F9B]  }
0x1a: {  	s8 =	sadd.s32 $0xFFFFE003, lr  }
0x1b: {  	s9 =	sadd.s32 $0xFFFFFEF7, lr;
	s5 =	simm.s32 $0xFFFFFFFF;
	p2 =	slt.u32 s8, $0xFFFFF086  }
0x1c: {  	p1 =	slt.u32 s9, $0xF7A;
	s5 =	simm.s32 @!p2 $0x0  }
0x1d: {  	s5 =	simm.s32 @p1 $0x1;
	p0 =	seq.s32 s7, s2  }
0x1e: {  	s7 =	smul.u32 @!p0 $0xF7A, s2;
	p2 =	seq.s32 @!p0 s5, $0x0  }
0x1f: {  	s9 =	smul.u32 $0xF7A, s1;
	s8 =	simm.s32 @!p0 $0x1BF5;
	p2 =	por !p2, p0  }
0x20: {  	[sflag:s8] =	ssyncset.s32 @!p0 $0xFFFFF086;
	s6 =	sadd.s32 @!p0 s3, s7;
	s7 =	simm.s32 @!p0 $0x108  }
0x21: {  	s3 =	sadd.s32 s3, s9;
	s6 =	sadd.s32 @!p0 $0x88, s6;
	s7 =	simm.s32 @p2 $0x1082  }
0x22: {  	[simem:s7], [sflag:s8] =	dma.local @!p0 [hbm:s6], $0xF7A  }
0x23: {  	s9 =	sor.u32 $0xD0000000, s2;
	s6 =	simm.s32 $0x108;
	_ =	swait.ge @!p0 [sflag:s8], $0x0  }
0x24: {  	s3 =	sadd.s32 $0x88, s3;
	s6 =	simm.s32 @!p1 $0x1082;
	[sflag:s4] =	ssyncset.s32 $0xFFFFF086  }
0x25: {  	[simem:s6], [sflag:s4] =	dma.local [hbm:s3], $0xF7A  }
0x26: {  	[smem:$0x3F9B] =	sst s1;
	(tag) =	ssettag s2;
	_ =	strace s9  }
0x27: {  	s1 =	sld [smem:$0x3FAB]  }
0x28: {  	s2 =	sld [smem:$0x3FAC]  }
0x29: {  	s4 =	sld [smem:$0x3FAE]  }
0x2a: {  	p0 =	seq.s32 s5, $0x0;
	s5 =	sld [smem:$0x3FAF]  }
0x2b: {  	s6 =	sld [smem:$0x3FB0]  }
0x2c: {  	s7 =	sld [smem:$0x3FB1]  }
0x2d: {  	s3 =	simm.s32 $0x108;
	s8 =	sld [smem:$0x3FB2]  }
0x2e: {  	s3 =	simm.s32 @!p0 $0x1082;
	s9 =	sld [smem:$0x3FB3]  }
0x2f: {  	lr =	sadd.s32 s0, s3;
	s0 =	sld [smem:$0x3FAA]  }
0x30: {  	s3 =	sld [smem:$0x3FAD]  }
0x31: {  	[smem:$0x3FB6] =	sst s10  }
0x32: {  	s10 =	sld [smem:$0x3FB4];
	_ =	sdelay $0x3  }
0x33: {  	p0 =	seq.s32 s10, $0x1;
	s10 =	sld [smem:$0x3FB6];
	_ =	sdelay $0x3  }
0x34: {  	[smem:$0x3FB6] =	sst s10  }
0x35: {  	s10 =	sld [smem:$0x3FB5];
	_ =	sdelay $0x3  }
0x36: {  	p1 =	seq.s32 s10, $0x1;
	s10 =	sld [smem:$0x3FB6];
	_ =	sdelay $0x3  }
0x37: {  	[smem:$0x3FB6] =	sst s10  }
0x38: {  	s10 =	sld [smem:$0x3FB7]  }
0x39: {  	_ = 	snop;
	(pc) =	sbr.ind lr, $3  }
0x3a: {  	_ = 	snop  }
0x3b: {  	_ = 	snop  }
0x3c: {  	p2 =	seq.s32 s10, $0x1;
	s10 =	sld [smem:$0x3FB6]  }
0x3d: {  	_ =	shalt  }
0x3e: {  	_ =	shalt  }
0x3f: {  	_ =	shalt  }
0x40: {  	_ =	shalt  }
0x41: {  	_ =	shalt  }
0x42: {  	_ =	shalt  }
0x43: {  	_ =	shalt  }
0x44: {  	_ =	shalt  }
0x45: {  	_ =	shalt  }
0x46: {  	_ =	shalt  }
0x47: {  	_ =	shalt  }
0x48: {  	_ =	shalt  }
0x49: {  	_ =	shalt  }
0x4a: {  	_ =	shalt  }
0x4b: {  	_ =	shalt  }
0x4c: {  	_ =	shalt  }
0x4d: {  	_ =	shalt  }
0x4e: {  	_ =	shalt  }
0x4f: {  	_ =	shalt  }
0x50: {  	_ =	shalt  }
0x51: {  	_ =	shalt  }
0x52: {  	_ =	shalt  }
0x53: {  	_ =	shalt  }
0x54: {  	_ =	shalt  }
0x55: {  	_ =	shalt  }
0x56: {  	_ =	shalt  }
0x57: {  	_ =	shalt  }
0x58: {  	_ =	shalt  }
0x59: {  	_ =	shalt  }
0x5a: {  	_ =	shalt  }
0x5b: {  	_ =	shalt  }
0x5c: {  	_ =	shalt  }
0x5d: {  	_ =	shalt  }
0x5e: {  	_ =	shalt  }
0x5f: {  	_ =	shalt  }
0x60: {  	_ =	shalt  }
0x61: {  	_ =	shalt  }
0x62: {  	_ =	shalt  }
0x63: {  	_ =	shalt  }
0x64: {  	_ =	shalt  }
0x65: {  	_ =	shalt  }
0x66: {  	_ =	shalt  }
0x67: {  	_ =	shalt  }
0x68: {  	_ =	shalt  }
0x69: {  	_ =	shalt  }
0x6a: {  	_ =	shalt  }
0x6b: {  	_ =	shalt  }
0x6c: {  	_ =	shalt  }
0x6d: {  	_ =	shalt  }
0x6e: {  	_ =	shalt  }
0x6f: {  	_ =	shalt  }
0x70: {  	_ =	shalt  }
0x71: {  	_ =	shalt  }
0x72: {  	_ =	shalt  }
0x73: {  	_ =	shalt  }
0x74: {  	_ =	shalt  }
0x75: {  	_ =	shalt  }
0x76: {  	_ =	shalt  }
0x77: {  	_ =	shalt  }
0x78: {  	_ =	shalt  }
0x79: {  	_ =	shalt  }
0x7a: {  	_ =	shalt  }
0x7b: {  	_ =	shalt  }
0x7c: {  	_ =	shalt  }
0x7d: {  	_ =	shalt  }
0x7e: {  	_ =	shalt  }
0x7f: {  	_ =	shalt  }
0x80: {  	_ =	shalt  }
0x81: {  	_ =	shalt  }
0x82: {  	_ =	shalt  }
0x83: {  	_ =	shalt  }
0x84: {  	_ =	shalt  }
0x85: {  	_ =	shalt  }
0x86: {  	_ =	shalt  }
0x87: {  	_ =	shalt  }
.Lfunc_end0:
.L_simem_size_0:
called_computation_lowered:
.L_overlay_start_0:
0x88: {  	s2 =	sld [smem:$0x3FD9]  }
0x89: {  	s3 =	sld [smem:$0x3FFE];
	_ =	sdelay $0x1  }
0x8a: {  	s1 =	srdreg.scid  }
0x8b: {  	s0 =	sand.u32 $0x1, s1  }
0x8c: {  	s17 =	sshll.u32 s0, $0xA;
	s2 =	sadd.s32 s3, s2  }
0x8d: {  	s2 =	sadd.s32 s2, s17  }
0x8e: {  	[smem:$0x3FC2] =	sst s2  }
0x8f: {  	_ = 	snop  }
0x90: {  	s2 =	sld [smem:$0x3FC6]  }
0x91: {  	s18 =	sld [smem:$0x3FD0];
	(tm) =	ssettm $0x1  }
0x92: {  	s4 =	sld [smem:$0x3FFB];
	_ =	sdelay $0x3  }
0x93: {  	_ =	strace s4  }
0x94: {  	s4 =	sld [smem:$0x3FFC];
	_ =	sdelay $0x3  }
0x95: {  	_ =	strace s4  }
0x96: {  	s4 =	sld [smem:$0x3FFD];
	_ =	sdelay $0x3  }
0x97: {  	_ =	strace s4  }
0x98: {  	_ =	strace $0x8FFFFFFF  }
0x99: {  	s19 =	sld [smem:$0x3FDB];
	_ =	sdelay $0x1  }
0x9a: {  	s5 =	simm.s32 $_scs_section_size  }
0x9b: {  	s6 =	simm.s32 $_size__tile_overlayer_lowered;
	s7 =	simm.s32 $_tile_overlayer_lowered  }
0x9c: {  	s22 =	simm.s32 $0x1BFF;
	s21 =	sshll.u32 s7, $0x1;
	s4 =	sadd.s32 s5, s19  }
0x9d: {  	s8 =	simm.s32 $0x0;
	s20 =	sshll.u32 s6, $0x1;
	s6 =	sadd.s32 s21, s4  }
0x9e: {  	[timem:s8], [sflag:s22] =	dma.local [hbm:s6], s20  }
0x9f: {  	_ =	swait.ge [sflag:s22], s20  }
0xa0: {  	s5 =	ssub.s32 $0x0, s20;
	[sflag:s22] =	ssyncset.done $0x0  }
0xa1: {  	[sflag:s22] =	ssyncadd.s32 s5;
	_ =	sdelay $0x1  }
0xa2: {  	s23 =	simm.s32 $0x1B8B  }
0xa3: {  	_ =	swait.ge [sflag:s23], $0x1  }
0xa4: {  	[sflag:s23] =	ssyncset.done $0x0  }
0xa5: {  	s25 =	simm.s32 $0x1B8E;
	s24 =	sld [smem:$0x3FFE];
	[sflag:s23] =	ssyncadd.s32 $0xFFFFFFFF  }
0xa6: {  	s26 =	simm.s32 $execute0_lowered;
	[smem:$0x3FD2] =	sst s25  }
0xa7: {  	s6 =	sshll.u32 s26, $0x1;
	_ =	strace $0x80000046;
	[dreg:$0x1] =	wrdreg $0xFFFFFFFF  }
0xa8: {  	s28 =	simm.s32 $_size_execute0_lowered;
	s4 =	sadd.s32 s4, s6;
	[dreg:$0x0] =	wrdreg $0x0  }
0xa9: {  	s6 =	sshll.u32 s28, $0x1;
	[dreg:$0x2] =	wrdreg s4  }
0xaa: {  	[dreg:$0x3] =	wrdreg s6  }
0xab: {  	[dreg:$0x4] =	wrdreg $0xC0  }
0xac: {  	_ =	task [dreg:s8], $0x5FFFF  }
0xad: {  	[dreg:$0x1] =	wrdreg $0xFFFFFFFF  }
0xae: {  	[dreg:$0x0] =	wrdreg $0x60  }
0xaf: {  	[dreg:$0x2] =	wrdreg s2  }
0xb0: {  	[dreg:$0x3] =	wrdreg s24  }
0xb1: {  	[dreg:$0x4] =	wrdreg s18  }
0xb2: {  	[dreg:$0x5] =	wrdreg $0x9  }
0xb3: {  	_ =	task.clear_ibuf [dreg:s8], $0x6FFFF;
	_ =	strace $0x90000046  }
0xb4: {  	s29 =	simm.s32 $0x9;
	_ =	strace $0x80000048  }
0xb5: {  	_ =	swait.ge [sflag:s29], $0x1  }
0xb6: {  	[sflag:s29] =	ssyncadd.s32 $0xFFFFFFFF  }
0xb7: {  	_ =	strace $0x90000048  }
0xb8: {  	_ =	sfence  }
0xb9: {  	s30 =	sld [smem:$0x0];
	_ =	sdelay $0x2  }
0xba: {  	s31 =	sshll.u32 s1, $0xD;
	s1 =	sshrl.u32 s1, $0x2  }
0xbb: {  	s3 =	sand.u32 $0x4000, s31;
	s1 =	sadd.s32 s1, s30  }
0xbc: {  	s0 =	sor.u32 s3, s0;
	s1 =	sshll.u32 s1, $0x11  }
0xbd: {  	s0 =	sor.u32 s1, s0  }
0xbe: {  	s0 =	sadd.s32 $0x8F2B, s0  }
0xbf: {  	[sflag:s0] =	ssyncadd.remote.s32 $0x1  }
0xc0: {  	_ =	sfence.sel $0xFFFF  }
0xc1: {  	[dreg:$0x0] =	wrdreg $0xFFFFFFFF;
	(pc) =	sbr.abs _section_cstart, $3  }
0xc2: {  	[dreg:$0x1] =	wrdreg $0xFFFFFFFF  }
0xc3: {  	_ =	task.clear_ibuf [dreg:s8], $0x2FFFF;
	_ =	strace $0x9FFFFFFF  }
0xc4: {  	(tm) =	ssettm $0x7FFFFFFF  }
0xc5: {  	_ =	shalt  }
tec
execute0_lowered:
.L_overlay_start_1:
0x0: {  	(tag) =	ssettag $0x1  }
0x1: {  	s28 =	rddreg [dreg:$0x0]  }
0x2: {  	s0 =	rddreg [dreg:$0x1]  }
0x3: {  	s1 =	srdreg.scid;
	s2 =	stileid.u32;
	s3 =	simm.s32 $0x0  }
0x4: {  	s30 =	simm.s32 $0x1;
	s31 =	simm.s32 $0x3;
	s1 =	sand.u32 $0x1, s1  }
0x5: {  	s2 =	sshll.u32 s2, $0x1;
	[smem:$0x7FF] =	sst s3;
	s5 =	sadd.s32 $0x14600, s0  }
0x6: {  	s8 =	sadd.s32 $0x400, s28;
	s9 =	sadd.s32 $0x800, s28;
	s10 =	sadd.s32 $0xC00, s28  }
0x7: {  	s11 =	sadd.s32 $0x1000, s28;
	s12 =	sadd.s32 $0x1400, s28;
	s13 =	sadd.s32 $0x1800, s28  }
0x8: {  	s14 =	sadd.s32 $0x1C00, s28;
	s15 =	sadd.s32 $0x14A00, s0;
	s16 =	sadd.s32 $0x14E00, s0  }
0x9: {  	s17 =	sadd.s32 $0x15200, s0;
	s18 =	sadd.s32 $0x15600, s0;
	s19 =	sadd.s32 $0x15A00, s0  }
0xa: {  	s20 =	sadd.s32 $0x15E00, s0;
	s2 =	sor.u32 s1, s2;
	s1 =	ssub.s32 $0x2, s1  }
0xb: {  	s21 =	sadd.s32 $0x16200, s0;
	s25 =	smul.u32 $0xA00, s2;
	s4 =	sshrl.u32 s1, $0x1  }
0xc: {  	_ =	strace $0x80000047;
	s6 =	sshll.u32 s2, $0x5;
	s1 =	ssub.s32 s1, s4  }
0xd: {  	v0 =	vlaneseq.u32;
	s3 =	sadd.s32 s25, s0;
	s29 =	smax.u32 s1, $0x1;
	s0 =	simm.s32 $0x400  }
0xe: {  	v1 =	vshrl.u32 v0, $0x1;
	s25 =	simm.s32 $0x2;
	s26 =	sadd.s32 $0x600, s3;
	[dreg:$0x5] =	wrdreg s29  }
0xf: {  	vm0 =	vmmov $0xffff;
	v0 =	vand.u32 $0x1, v0;
	v1 =	vmul.u32 $0x8, v1;
	s3 =	simm.s32 $0x0;
	[dreg:$0x4] =	wrdreg s26;
	s26 =	simm.s32 $0x4  }
.LBB2_1:
0x10: {  	[dreg:$0x6] =	wrdreg s3  }
0x11: {  	s1 =	simm.s32 $0x0;
	s2 =	rddreg [dreg:$0x4];
	s7 =	simm.s32 $0x7  }
0x12: {  	[tilespmem:s1], [sflag:$0x7] =	stream.linear.gather [hbm4b:s2+s1], $0x5000, $0x38;
	[tilespmem:$0x1D000] =	vst v63  }
0x13: {  	_ =	swait.ge [sflag:s7], $0x5000  }
0x14: {  	[sflag:s7] =	ssyncset.done $0x0  }
0x15: {  	[sflag:s7] =	ssyncadd.s32 $0xFFFFB000  }
0x16: {  	v2 =	vld.msk [tilespmem:$0x0], $0x3;
	_ =	sdelay $0x4  }
0x17: {  	v3 =	vshll.u32 v2, $0x6  }
0x18: {  	v2 =	vand.u32 $0x7, v2;
	v3 =	vand.u32 $0xFFFFFE00, v3  }
0x19: {  	v2 =	vor.u32 v2, v3  }
0x1a: {  	v2 =	vperm.xlane v2, v0;
	_ =	sdelay $0x1  }
0x1b: {  	v2 =	vadd.s32 v1, v2;
	_ =	sdelay $0x3  }
0x1c: {  	s22 =	simm.s32 $0x5000  }
0x1d: {  	[tilespmem:s22], [sflag:$0x1] =	stream.indirect_vreg.gather [hbm4b:s28+s1], $0x80, v2, vm0, $0xb8;
	[tilespmem:$0x1D000] =	vst v63  }
0x1e: {  	s23 =	simm.s32 $0x5800  }
0x1f: {  	[tilespmem:s23], [sflag:$0x1] =	stream.indirect_vreg.gather [hbm4b:s8+s1], $0x80, v2, vm0, $0xb8;
	[tilespmem:$0x1D000] =	vst v63  }
0x20: {  	s24 =	simm.s32 $0x6000  }
0x21: {  	[tilespmem:s24], [sflag:$0x1] =	stream.indirect_vreg.gather [hbm4b:s9+s1], $0x80, v2, vm0, $0xb8;
	[tilespmem:$0x1D000] =	vst v63  }
0x22: {  	s29 =	simm.s32 $0x6800  }
0x23: {  	[tilespmem:s29], [sflag:$0x1] =	stream.indirect_vreg.gather [hbm4b:s10+s1], $0x80, v2, vm0, $0xb8;
	[tilespmem:$0x1D000] =	vst v63  }
0x24: {  	s3 =	simm.s32 $0x7000  }
0x25: {  	[tilespmem:s3], [sflag:$0x1] =	stream.indirect_vreg.gather [hbm4b:s11+s1], $0x80, v2, vm0, $0xb8;
	[tilespmem:$0x1D000] =	vst v63  }
0x26: {  	s4 =	simm.s32 $0x7800  }
0x27: {  	[tilespmem:s4], [sflag:$0x1] =	stream.indirect_vreg.gather [hbm4b:s12+s1], $0x80, v2, vm0, $0xb8;
	[tilespmem:$0x1D000] =	vst v63  }
0x28: {  	s7 =	simm.s32 $0x8000  }
0x29: {  	[tilespmem:s7], [sflag:$0x1] =	stream.indirect_vreg.gather [hbm4b:s13+s1], $0x80, v2, vm0, $0xb8;
	[tilespmem:$0x1D000] =	vst v63  }
0x2a: {  	s22 =	simm.s32 $0x8800  }
0x2b: {  	[tilespmem:s22], [sflag:$0x1] =	stream.indirect_vreg.gather [hbm4b:s14+s1], $0x80, v2, vm0, $0xb8;
	[tilespmem:$0x1D000] =	vst v63  }
0x2c: {  	v2 =	vld.msk [tilespmem:$0x8], $0x3;
	_ =	sdelay $0x4  }
0x2d: {  	v3 =	vshll.u32 v2, $0x6  }
0x2e: {  	v2 =	vand.u32 $0x7, v2;
	v3 =	vand.u32 $0xFFFFFE00, v3  }
0x2f: {  	v2 =	vor.u32 v2, v3  }
0x30: {  	v2 =	vperm.xlane v2, v0;
	_ =	sdelay $0x1  }
0x31: {  	v2 =	vadd.s32 v1, v2;
	_ =	sdelay $0x3  }
0x32: {  	s23 =	simm.s32 $0xD000  }
0x33: {  	[tilespmem:s23], [sflag:$0x3] =	stream.indirect_vreg.gather [hbm4b:s5+s1], $0x80, v2, vm0, $0xb8;
	[tilespmem:$0x1D000] =	vst v63  }
0x34: {  	s24 =	simm.s32 $0xD800  }
0x35: {  	[tilespmem:s24], [sflag:$0x3] =	stream.indirect_vreg.gather [hbm4b:s15+s1], $0x80, v2, vm0, $0xb8;
	[tilespmem:$0x1D000] =	vst v63  }
0x36: {  	s29 =	simm.s32 $0xE000  }
0x37: {  	[tilespmem:s29], [sflag:$0x3] =	stream.indirect_vreg.gather [hbm4b:s16+s1], $0x80, v2, vm0, $0xb8;
	[tilespmem:$0x1D000] =	vst v63  }
0x38: {  	s3 =	simm.s32 $0xE800  }
0x39: {  	[tilespmem:s3], [sflag:$0x3] =	stream.indirect_vreg.gather [hbm4b:s17+s1], $0x80, v2, vm0, $0xb8;
	[tilespmem:$0x1D000] =	vst v63  }
0x3a: {  	s4 =	simm.s32 $0xF000  }
0x3b: {  	[tilespmem:s4], [sflag:$0x3] =	stream.indirect_vreg.gather [hbm4b:s18+s1], $0x80, v2, vm0, $0xb8;
	[tilespmem:$0x1D000] =	vst v63  }
0x3c: {  	s7 =	simm.s32 $0xF800  }
0x3d: {  	[tilespmem:s7], [sflag:$0x3] =	stream.indirect_vreg.gather [hbm4b:s19+s1], $0x80, v2, vm0, $0xb8;
	[tilespmem:$0x1D000] =	vst v63  }
0x3e: {  	s22 =	simm.s32 $0x10000  }
0x3f: {  	[tilespmem:s22], [sflag:$0x3] =	stream.indirect_vreg.gather [hbm4b:s20+s1], $0x80, v2, vm0, $0xb8;
	[tilespmem:$0x1D000] =	vst v63  }
0x40: {  	s23 =	simm.s32 $0x10800  }
0x41: {  	[tilespmem:s23], [sflag:$0x3] =	stream.indirect_vreg.gather [hbm4b:s21+s1], $0x80, v2, vm0, $0xb8;
	[tilespmem:$0x1D000] =	vst v63  }
0x42: {  	v2 =	vld.msk [tilespmem:$0x10], $0x3;
	_ =	sdelay $0x4  }
0x43: {  	v3 =	vshll.u32 v2, $0x6  }
0x44: {  	v2 =	vand.u32 $0x7, v2;
	v3 =	vand.u32 $0xFFFFFE00, v3  }
0x45: {  	v2 =	vor.u32 v2, v3  }
0x46: {  	v2 =	vperm.xlane v2, v0;
	_ =	sdelay $0x1  }
0x47: {  	v2 =	vadd.s32 v1, v2;
	_ =	sdelay $0x3  }
0x48: {  	s24 =	simm.s32 $0x9000  }
0x49: {  	[tilespmem:s24], [sflag:$0x2] =	stream.indirect_vreg.gather [hbm4b:s28+s1], $0x80, v2, vm0, $0xb8;
	[tilespmem:$0x1D000] =	vst v63  }
0x4a: {  	s29 =	simm.s32 $0x9800  }
0x4b: {  	[tilespmem:s29], [sflag:$0x2] =	stream.indirect_vreg.gather [hbm4b:s8+s1], $0x80, v2, vm0, $0xb8;
	[tilespmem:$0x1D000] =	vst v63  }
0x4c: {  	s3 =	simm.s32 $0xA000  }
0x4d: {  	[tilespmem:s3], [sflag:$0x2] =	stream.indirect_vreg.gather [hbm4b:s9+s1], $0x80, v2, vm0, $0xb8;
	[tilespmem:$0x1D000] =	vst v63  }
0x4e: {  	s4 =	simm.s32 $0xA800  }
0x4f: {  	[tilespmem:s4], [sflag:$0x2] =	stream.indirect_vreg.gather [hbm4b:s10+s1], $0x80, v2, vm0, $0xb8;
	[tilespmem:$0x1D000] =	vst v63  }
0x50: {  	s7 =	simm.s32 $0xB000  }
0x51: {  	[tilespmem:s7], [sflag:$0x2] =	stream.indirect_vreg.gather [hbm4b:s11+s1], $0x80, v2, vm0, $0xb8;
	[tilespmem:$0x1D000] =	vst v63  }
0x52: {  	s22 =	simm.s32 $0xB800  }
0x53: {  	[tilespmem:s22], [sflag:$0x2] =	stream.indirect_vreg.gather [hbm4b:s12+s1], $0x80, v2, vm0, $0xb8;
	[tilespmem:$0x1D000] =	vst v63  }
0x54: {  	s23 =	simm.s32 $0xC000  }
0x55: {  	[tilespmem:s23], [sflag:$0x2] =	stream.indirect_vreg.gather [hbm4b:s13+s1], $0x80, v2, vm0, $0xb8;
	[tilespmem:$0x1D000] =	vst v63  }
0x56: {  	s24 =	simm.s32 $0xC800  }
0x57: {  	[tilespmem:s24], [sflag:$0x2] =	stream.indirect_vreg.gather [hbm4b:s14+s1], $0x80, v2, vm0, $0xb8;
	[tilespmem:$0x1D000] =	vst v63  }
0x58: {  	v2 =	vld.msk [tilespmem:$0x18], $0x3;
	_ =	sdelay $0x4  }
0x59: {  	v3 =	vshll.u32 v2, $0x6  }
0x5a: {  	v2 =	vand.u32 $0x7, v2;
	v3 =	vand.u32 $0xFFFFFE00, v3  }
0x5b: {  	v2 =	vor.u32 v2, v3  }
0x5c: {  	v2 =	vperm.xlane v2, v0;
	_ =	sdelay $0x1  }
0x5d: {  	v2 =	vadd.s32 v1, v2;
	_ =	sdelay $0x3  }
0x5e: {  	s29 =	simm.s32 $0x11000  }
0x5f: {  	[tilespmem:s29], [sflag:$0x4] =	stream.indirect_vreg.gather [hbm4b:s5+s1], $0x80, v2, vm0, $0xb8;
	[tilespmem:$0x1D000] =	vst v63  }
0x60: {  	s3 =	simm.s32 $0x11800  }
0x61: {  	[tilespmem:s3], [sflag:$0x4] =	stream.indirect_vreg.gather [hbm4b:s15+s1], $0x80, v2, vm0, $0xb8;
	[tilespmem:$0x1D000] =	vst v63  }
0x62: {  	s4 =	simm.s32 $0x12000  }
0x63: {  	[tilespmem:s4], [sflag:$0x4] =	stream.indirect_vreg.gather [hbm4b:s16+s1], $0x80, v2, vm0, $0xb8;
	[tilespmem:$0x1D000] =	vst v63  }
0x64: {  	s7 =	simm.s32 $0x12800  }
0x65: {  	[tilespmem:s7], [sflag:$0x4] =	stream.indirect_vreg.gather [hbm4b:s17+s1], $0x80, v2, vm0, $0xb8;
	[tilespmem:$0x1D000] =	vst v63  }
0x66: {  	s22 =	simm.s32 $0x13000  }
0x67: {  	[tilespmem:s22], [sflag:$0x4] =	stream.indirect_vreg.gather [hbm4b:s18+s1], $0x80, v2, vm0, $0xb8;
	[tilespmem:$0x1D000] =	vst v63  }
0x68: {  	s23 =	simm.s32 $0x13800  }
0x69: {  	[tilespmem:s23], [sflag:$0x4] =	stream.indirect_vreg.gather [hbm4b:s19+s1], $0x80, v2, vm0, $0xb8;
	[tilespmem:$0x1D000] =	vst v63  }
0x6a: {  	s24 =	simm.s32 $0x14000  }
0x6b: {  	[tilespmem:s24], [sflag:$0x4] =	stream.indirect_vreg.gather [hbm4b:s20+s1], $0x80, v2, vm0, $0xb8;
	[tilespmem:$0x1D000] =	vst v63  }
0x6c: {  	s29 =	simm.s32 $0x14800;
	s23 =	simm.s32 $0x0  }
0x6d: {  	[tilespmem:s29], [sflag:$0x4] =	stream.indirect_vreg.gather [hbm4b:s21+s1], $0x80, v2, vm0, $0xb8;
	[tilespmem:$0x1D000] =	vst v63  }
.LBB2_2:
0x6e: {  	_ =	swait.ge [sflag:s30], $0x4000  }
0x6f: {  	[sflag:s30] =	ssyncset.done $0x0  }
0x70: {  	[sflag:s30] =	ssyncadd.s32 $0xFFFFC000  }
0x71: {  	_ =	swait.ge [sflag:s31], $0x4000  }
0x72: {  	p1 =	seq.s32 s23, $0x0;
	[sflag:s31] =	ssyncset.done $0x0  }
0x73: {  	s1 =	simm.s32 @!p1 $0x5;
	[sflag:s31] =	ssyncadd.s32 $0xFFFFC000  }
0x74: {  	_ =	swait.ge @!p1 [sflag:s1], $0x4000  }
0x75: {  	[sflag:s1] =	ssyncset.done @!p1 $0x0  }
0x76: {  	s4 =	simm.s32 $0x0;
	[sflag:s1] =	ssyncadd.s32 @!p1 $0xFFFFC000  }
0x77: {  	v2 =	vld [tilespmem:s4+$0x5070]  }
0x78: {  	v3 =	vld [tilespmem:s4+$0xD070]  }
0x79: {  	v4 =	vld [tilespmem:s4+$0x5000]  }
0x7a: {  	v5 =	vld [tilespmem:s4+$0xD000]  }
0x7b: {  	v6 =	vld [tilespmem:s4+$0x5010]  }
0x7c: {  	v7 =	vld [tilespmem:s4+$0xD010]  }
0x7d: {  	v8 =	vld [tilespmem:s4+$0x5020]  }
0x7e: {  	v9 =	vld [tilespmem:s4+$0x5030]  }
0x7f: {  	v2 =	vadd.f32 v3, v2;
	v3 =	vld [tilespmem:s4+$0xD020]  }
0x80: {  	v10 =	vld [tilespmem:s4+$0xD030]  }
0x81: {  	v11 =	vld [tilespmem:s4+$0xD040];
	v4 =	vadd.f32 v5, v4  }
0x82: {  	[tilespmem:s4+$0x15070] =	vst v2;
	v2 =	vadd.f32 v7, v6;
	v7 =	vld [tilespmem:s4+$0x5040]  }
0x83: {  	v5 =	vld [tilespmem:s4+$0xD050];
	[tilespmem:s4+$0x15000] =	vst v4  }
0x84: {  	v4 =	vld [tilespmem:s4+$0x5050];
	[tilespmem:s4+$0x15010] =	vst v2;
	v2 =	vadd.f32 v3, v8  }
0x85: {  	v6 =	vld [tilespmem:s4+$0xD060];
	v8 =	vadd.f32 v10, v9  }
0x86: {  	s7 =	simm.s32 $0x100;
	[tilespmem:s4+$0x15020] =	vst v2;
	v2 =	vld [tilespmem:s4+$0x5060]  }
0x87: {  	s22 =	sshll.u32 s23, $0x9;
	s3 =	simm.s32 $0x800;
	s24 =	simm.s32 $0x0;
	v7 =	vadd.f32 v11, v7;
	v3 =	vld [tilespmem:s7+$0x5070];
	[tilespmem:s4+$0x15030] =	vst v8  }
.LBB2_3:
0x88: {  	p0 =	sne.s32 s3, $0xFC00;
	v8 =	vld [tilespmem:s7+$0xD070]  }
0x89: {  	v9 =	vld [tilespmem:s7+$0x5000];
	[tilespmem:s24+$0x15040] =	vst v7;
	v4 =	vadd.f32 v5, v4  }
0x8a: {  	v5 =	vld [tilespmem:s7+$0xD000]  }
0x8b: {  	v7 =	vld [tilespmem:s7+$0x5010];
	[tilespmem:s24+$0x15050] =	vst v4;
	v2 =	vadd.f32 v6, v2  }
0x8c: {  	v4 =	vld [tilespmem:s7+$0xD010]  }
0x8d: {  	v6 =	vld [tilespmem:s7+$0x5020];
	v3 =	vadd.f32 v8, v3;
	[tilespmem:s24+$0x15060] =	vst v2;
	s24 =	smov.u32 s7  }
0x8e: {  	v2 =	vld [tilespmem:s24+$0xD020]  }
0x8f: {  	v5 =	vadd.f32 v5, v9;
	v8 =	vld [tilespmem:s24+$0x5030];
	[tilespmem:s24+$0x15070] =	vst v3  }
0x90: {  	v3 =	vld [tilespmem:s24+$0xD030]  }
0x91: {  	[tilespmem:s24+$0x15000] =	vst v5;
	v4 =	vadd.f32 v4, v7;
	v7 =	vld [tilespmem:s24+$0x5040]  }
0x92: {  	v9 =	vld [tilespmem:s24+$0xD040]  }
.Ltmp0:
0x93: {  	[tilespmem:s24+$0x15010] =	vst v4;
	v2 =	vadd.f32 v2, v6;
	v4 =	vld [tilespmem:s24+$0x5050];
	(pc) =	sbr.rel @p0 .LBB2_3-.Ltmp0, $4  }
0x94: {  	v5 =	vld [tilespmem:s24+$0xD050]  }
0x95: {  	[tilespmem:s24+$0x15020] =	vst v2;
	v8 =	vadd.f32 v3, v8;
	v2 =	vld [tilespmem:s24+$0x5060]  }
0x96: {  	s7 =	sshra.s32 s3, $0x2;
	v6 =	vld [tilespmem:s24+$0xD060]  }
0x97: {  	s3 =	sadd.s32 $0x400, s3;
	v3 =	vld [tilespmem:s7+$0x5070];
	[tilespmem:s24+$0x15030] =	vst v8;
	v7 =	vadd.f32 v9, v7  }
0x98: {  	v8 =	vld [tilespmem:s7+$0xD070]  }
0x99: {  	v9 =	vld [tilespmem:s7+$0x5000];
	[tilespmem:s24+$0x15040] =	vst v7;
	v4 =	vadd.f32 v5, v4  }
0x9a: {  	v5 =	vld [tilespmem:s7+$0xD000]  }
0x9b: {  	v7 =	vld [tilespmem:s7+$0x5010];
	[tilespmem:s24+$0x15050] =	vst v4;
	v2 =	vadd.f32 v6, v2  }
0x9c: {  	v4 =	vld [tilespmem:s7+$0xD010]  }
0x9d: {  	v6 =	vld [tilespmem:s7+$0x5020];
	[tilespmem:s24+$0x15060] =	vst v2  }
0x9e: {  	v2 =	vadd.f32 v8, v3;
	v3 =	vld [tilespmem:s7+$0xD020]  }
0x9f: {  	v8 =	vld [tilespmem:s7+$0x5030]  }
0xa0: {  	v62 =	vld [tilespmem:s7+$0xD060];
	v5 =	vadd.f32 v5, v9  }
0xa1: {  	[tilespmem:s7+$0x15070] =	vst v2;
	v2 =	vld [tilespmem:s7+$0xD030]  }
0xa2: {  	[tilespmem:s7+$0x15000] =	vst v5;
	v4 =	vadd.f32 v4, v7;
	v5 =	vld [tilespmem:s7+$0x5040]  }
0xa3: {  	v7 =	vld [tilespmem:s7+$0xD040]  }
0xa4: {  	[tilespmem:s7+$0x15010] =	vst v4;
	v3 =	vadd.f32 v3, v6;
	v4 =	vld [tilespmem:s7+$0x5050]  }
0xa5: {  	v6 =	vld [tilespmem:s7+$0xD050]  }
0xa6: {  	[tilespmem:s7+$0x15020] =	vst v3;
	v3 =	vld [tilespmem:s7+$0x5060];
	_ =	sdelay $0x1  }
0xa7: {  	v2 =	vadd.f32 v2, v8  }
0xa8: {  	v5 =	vadd.f32 v7, v5  }
0xa9: {  	[tilespmem:s7+$0x15030] =	vst v2;
	v2 =	vadd.f32 v6, v4  }
0xaa: {  	[tilespmem:s7+$0x15040] =	vst v5;
	v3 =	vadd.f32 v62, v3  }
0xab: {  	[tilespmem:s7+$0x15050] =	vst v2  }
0xac: {  	[tilespmem:s7+$0x15060] =	vst v3  }
0xad: {  	v2 =	vld [tilespmem:s4+$0x50F0]  }
0xae: {  	v3 =	vld [tilespmem:s4+$0xD0F0]  }
0xaf: {  	v4 =	vld [tilespmem:s4+$0x5080]  }
0xb0: {  	v5 =	vld [tilespmem:s4+$0xD080]  }
0xb1: {  	v6 =	vld [tilespmem:s4+$0x5090]  }
0xb2: {  	v7 =	vld [tilespmem:s4+$0xD090]  }
0xb3: {  	v8 =	vld [tilespmem:s4+$0x50A0]  }
0xb4: {  	v63 =	vld [tilespmem:s4+$0x50B0]  }
0xb5: {  	v2 =	vadd.f32 v3, v2;
	v3 =	vld [tilespmem:s4+$0xD0A0]  }
0xb6: {  	v10 =	vld [tilespmem:s4+$0xD0B0]  }
0xb7: {  	v11 =	vld [tilespmem:s4+$0xD0C0];
	v4 =	vadd.f32 v5, v4  }
0xb8: {  	[tilespmem:s4+$0x150F0] =	vst v2;
	v2 =	vadd.f32 v7, v6;
	v7 =	vld [tilespmem:s4+$0x50C0]  }
0xb9: {  	v5 =	vld [tilespmem:s4+$0xD0D0];
	[tilespmem:s4+$0x15080] =	vst v4  }
0xba: {  	v4 =	vld [tilespmem:s4+$0x50D0];
	[tilespmem:s4+$0x15090] =	vst v2;
	v2 =	vadd.f32 v3, v8  }
0xbb: {  	v6 =	vld [tilespmem:s4+$0xD0E0];
	v8 =	vadd.f32 v10, v63  }
0xbc: {  	s7 =	simm.s32 $0x100;
	[tilespmem:s4+$0x150A0] =	vst v2;
	v2 =	vld [tilespmem:s4+$0x50E0]  }
0xbd: {  	s1 =	simm.s32 $0x800;
	v7 =	vadd.f32 v11, v7;
	v3 =	vld [tilespmem:s7+$0x50F0];
	[tilespmem:s4+$0x150B0] =	vst v8  }
.LBB2_5:
0xbe: {  	p0 =	sne.s32 s1, $0xFC00;
	v8 =	vld [tilespmem:s7+$0xD0F0]  }
0xbf: {  	v9 =	vld [tilespmem:s7+$0x5080];
	[tilespmem:s4+$0x150C0] =	vst v7;
	v4 =	vadd.f32 v5, v4  }
0xc0: {  	v5 =	vld [tilespmem:s7+$0xD080]  }
0xc1: {  	v7 =	vld [tilespmem:s7+$0x5090];
	[tilespmem:s4+$0x150D0] =	vst v4;
	v2 =	vadd.f32 v6, v2  }
0xc2: {  	v4 =	vld [tilespmem:s7+$0xD090]  }
0xc3: {  	v6 =	vld [tilespmem:s7+$0x50A0];
	v3 =	vadd.f32 v8, v3;
	[tilespmem:s4+$0x150E0] =	vst v2;
	s4 =	smov.u32 s7  }
0xc4: {  	v2 =	vld [tilespmem:s4+$0xD0A0]  }
0xc5: {  	v5 =	vadd.f32 v5, v9;
	v8 =	vld [tilespmem:s4+$0x50B0];
	[tilespmem:s4+$0x150F0] =	vst v3  }
0xc6: {  	v3 =	vld [tilespmem:s4+$0xD0B0]  }
0xc7: {  	[tilespmem:s4+$0x15080] =	vst v5;
	v4 =	vadd.f32 v4, v7;
	v7 =	vld [tilespmem:s4+$0x50C0]  }
0xc8: {  	v9 =	vld [tilespmem:s4+$0xD0C0]  }
.Ltmp1:
0xc9: {  	[tilespmem:s4+$0x15090] =	vst v4;
	v2 =	vadd.f32 v2, v6;
	v4 =	vld [tilespmem:s4+$0x50D0];
	(pc) =	sbr.rel @p0 .LBB2_5-.Ltmp1, $4  }
0xca: {  	v5 =	vld [tilespmem:s4+$0xD0D0]  }
0xcb: {  	[tilespmem:s4+$0x150A0] =	vst v2;
	v8 =	vadd.f32 v3, v8;
	v2 =	vld [tilespmem:s4+$0x50E0]  }
0xcc: {  	s7 =	sshra.s32 s1, $0x2;
	v6 =	vld [tilespmem:s4+$0xD0E0]  }
0xcd: {  	s1 =	sadd.s32 $0x400, s1;
	v3 =	vld [tilespmem:s7+$0x50F0];
	[tilespmem:s4+$0x150B0] =	vst v8;
	v7 =	vadd.f32 v9, v7  }
0xce: {  	v8 =	vld [tilespmem:s7+$0xD0F0]  }
0xcf: {  	v9 =	vld [tilespmem:s7+$0x5080];
	[tilespmem:s4+$0x150C0] =	vst v7;
	v4 =	vadd.f32 v5, v4  }
0xd0: {  	v5 =	vld [tilespmem:s7+$0xD080]  }
0xd1: {  	v7 =	vld [tilespmem:s7+$0x5090];
	[tilespmem:s4+$0x150D0] =	vst v4;
	v2 =	vadd.f32 v6, v2  }
0xd2: {  	v4 =	vld [tilespmem:s7+$0xD090]  }
0xd3: {  	v6 =	vld [tilespmem:s7+$0x50A0];
	[tilespmem:s4+$0x150E0] =	vst v2  }
0xd4: {  	v2 =	vadd.f32 v8, v3;
	v3 =	vld [tilespmem:s7+$0xD0A0]  }
0xd5: {  	v8 =	vld [tilespmem:s7+$0x50B0]  }
0xd6: {  	v62 =	vld [tilespmem:s7+$0xD0E0];
	v5 =	vadd.f32 v5, v9  }
0xd7: {  	[tilespmem:s7+$0x150F0] =	vst v2;
	v2 =	vld [tilespmem:s7+$0xD0B0]  }
0xd8: {  	[tilespmem:s7+$0x15080] =	vst v5;
	v4 =	vadd.f32 v4, v7;
	v5 =	vld [tilespmem:s7+$0x50C0]  }
0xd9: {  	v7 =	vld [tilespmem:s7+$0xD0C0]  }
0xda: {  	[tilespmem:s7+$0x15090] =	vst v4;
	v3 =	vadd.f32 v3, v6;
	v4 =	vld [tilespmem:s7+$0x50D0]  }
0xdb: {  	v6 =	vld [tilespmem:s7+$0xD0D0]  }
0xdc: {  	[tilespmem:s7+$0x150A0] =	vst v3;
	v3 =	vld [tilespmem:s7+$0x50E0];
	_ =	sdelay $0x1  }
0xdd: {  	v2 =	vadd.f32 v2, v8  }
0xde: {  	v5 =	vadd.f32 v7, v5  }
0xdf: {  	[tilespmem:s7+$0x150B0] =	vst v2;
	v2 =	vadd.f32 v6, v4  }
0xe0: {  	[tilespmem:s7+$0x150C0] =	vst v5;
	v3 =	vadd.f32 v62, v3  }
0xe1: {  	p0 =	seq.s32 s23, $0x9F;
	[tilespmem:s7+$0x150D0] =	vst v2  }
0xe2: {  	s29 =	sshra.s32 @!p0 s22, $0x2;
	[tilespmem:s7+$0x150E0] =	vst v3  }
0xe3: {  	v2 =	vld.msk @!p0 [tilespmem:s29+$0x80], $0x3;
	_ =	sdelay $0x4  }
0xe4: {  	v3 =	vshll.u32 @!p0 v2, $0x6  }
0xe5: {  	v4 =	vlaneseq.u32 @!p0;
	v2 =	vand.u32 @!p0 $0x7, v2;
	v3 =	vand.u32 @!p0 $0xFFFFFE00, v3  }
0xe6: {  	v2 =	vor.u32 @!p0 v2, v3;
	v3 =	vand.u32 @!p0 $0x1, v4;
	v4 =	vshrl.u32 @!p0 v4, $0x1  }
0xe7: {  	v2 =	vperm.xlane @!p0 v2, v3;
	v4 =	vmul.u32 @!p0 $0x8, v4;
	_ =	sdelay $0x1  }
0xe8: {  	v2 =	vadd.s32 @!p0 v4, v2;
	_ =	sdelay $0x3  }
0xe9: {  	vm1 =	vmmov @!p0 $0xffff;
	s1 =	simm.s32 @!p0 $0x0;
	s3 =	simm.s32 @!p0 $0x5000  }
0xea: {  	[tilespmem:s3], [sflag:$0x1] =	stream.indirect_vreg.gather @!p0 [hbm4b:s28+s1], $0x80, v2, vm1, $0xb8;
	[tilespmem:$0x1D000] =	vst v63  }
0xeb: {  	s3 =	simm.s32 @!p0 $0x5800  }
0xec: {  	[tilespmem:s3], [sflag:$0x1] =	stream.indirect_vreg.gather @!p0 [hbm4b:s8+s1], $0x80, v2, vm1, $0xb8;
	[tilespmem:$0x1D000] =	vst v63  }
0xed: {  	s3 =	simm.s32 @!p0 $0x6000  }
0xee: {  	[tilespmem:s3], [sflag:$0x1] =	stream.indirect_vreg.gather @!p0 [hbm4b:s9+s1], $0x80, v2, vm1, $0xb8;
	[tilespmem:$0x1D000] =	vst v63  }
0xef: {  	s3 =	simm.s32 @!p0 $0x6800  }
0xf0: {  	[tilespmem:s3], [sflag:$0x1] =	stream.indirect_vreg.gather @!p0 [hbm4b:s10+s1], $0x80, v2, vm1, $0xb8;
	[tilespmem:$0x1D000] =	vst v63  }
0xf1: {  	s3 =	simm.s32 @!p0 $0x7000  }
0xf2: {  	[tilespmem:s3], [sflag:$0x1] =	stream.indirect_vreg.gather @!p0 [hbm4b:s11+s1], $0x80, v2, vm1, $0xb8;
	[tilespmem:$0x1D000] =	vst v63  }
0xf3: {  	s3 =	simm.s32 @!p0 $0x7800  }
0xf4: {  	[tilespmem:s3], [sflag:$0x1] =	stream.indirect_vreg.gather @!p0 [hbm4b:s12+s1], $0x80, v2, vm1, $0xb8;
	[tilespmem:$0x1D000] =	vst v63  }
0xf5: {  	s3 =	simm.s32 @!p0 $0x8000  }
0xf6: {  	[tilespmem:s3], [sflag:$0x1] =	stream.indirect_vreg.gather @!p0 [hbm4b:s13+s1], $0x80, v2, vm1, $0xb8;
	[tilespmem:$0x1D000] =	vst v63  }
0xf7: {  	s3 =	simm.s32 @!p0 $0x8800  }
0xf8: {  	[tilespmem:s3], [sflag:$0x1] =	stream.indirect_vreg.gather @!p0 [hbm4b:s14+s1], $0x80, v2, vm1, $0xb8;
	[tilespmem:$0x1D000] =	vst v63  }
0xf9: {  	v2 =	vld.msk @!p0 [tilespmem:s29+$0x88], $0x3;
	_ =	sdelay $0x4  }
0xfa: {  	v5 =	vshll.u32 @!p0 v2, $0x6  }
0xfb: {  	v2 =	vand.u32 @!p0 $0x7, v2;
	v5 =	vand.u32 @!p0 $0xFFFFFE00, v5  }
0xfc: {  	v2 =	vor.u32 @!p0 v2, v5  }
0xfd: {  	v2 =	vperm.xlane @!p0 v2, v3;
	_ =	sdelay $0x1  }
0xfe: {  	v2 =	vadd.s32 @!p0 v4, v2;
	_ =	sdelay $0x3  }
0xff: {  	s3 =	simm.s32 @!p0 $0xD000  }
0x100: {  	[tilespmem:s3], [sflag:$0x3] =	stream.indirect_vreg.gather @!p0 [hbm4b:s5+s1], $0x80, v2, vm1, $0xb8;
	[tilespmem:$0x1D000] =	vst v63  }
0x101: {  	s3 =	simm.s32 @!p0 $0xD800  }
0x102: {  	[tilespmem:s3], [sflag:$0x3] =	stream.indirect_vreg.gather @!p0 [hbm4b:s15+s1], $0x80, v2, vm1, $0xb8;
	[tilespmem:$0x1D000] =	vst v63  }
0x103: {  	s3 =	simm.s32 @!p0 $0xE000  }
0x104: {  	[tilespmem:s3], [sflag:$0x3] =	stream.indirect_vreg.gather @!p0 [hbm4b:s16+s1], $0x80, v2, vm1, $0xb8;
	[tilespmem:$0x1D000] =	vst v63  }
0x105: {  	s3 =	simm.s32 @!p0 $0xE800  }
0x106: {  	[tilespmem:s3], [sflag:$0x3] =	stream.indirect_vreg.gather @!p0 [hbm4b:s17+s1], $0x80, v2, vm1, $0xb8;
	[tilespmem:$0x1D000] =	vst v63  }
0x107: {  	s3 =	simm.s32 @!p0 $0xF000  }
0x108: {  	[tilespmem:s3], [sflag:$0x3] =	stream.indirect_vreg.gather @!p0 [hbm4b:s18+s1], $0x80, v2, vm1, $0xb8;
	[tilespmem:$0x1D000] =	vst v63  }
0x109: {  	s3 =	simm.s32 @!p0 $0xF800  }
0x10a: {  	[tilespmem:s3], [sflag:$0x3] =	stream.indirect_vreg.gather @!p0 [hbm4b:s19+s1], $0x80, v2, vm1, $0xb8;
	[tilespmem:$0x1D000] =	vst v63  }
0x10b: {  	s3 =	simm.s32 @!p0 $0x10000  }
0x10c: {  	[tilespmem:s3], [sflag:$0x3] =	stream.indirect_vreg.gather @!p0 [hbm4b:s20+s1], $0x80, v2, vm1, $0xb8;
	[tilespmem:$0x1D000] =	vst v63  }
0x10d: {  	s24 =	sshll.u32 s23, $0x2;
	s7 =	sshrl.u32 s23, $0x3;
	s3 =	simm.s32 @!p0 $0x10800  }
0x10e: {  	[tilespmem:s3], [sflag:$0x3] =	stream.indirect_vreg.gather @!p0 [hbm4b:s21+s1], $0x80, v2, vm1, $0xb8;
	[tilespmem:$0x1D000] =	vst v63  }
0x10f: {  	s4 =	sshll.u32 s7, $0x5;
	s3 =	sadd.s32 s6, s24  }
0x110: {  	s3 =	ssub.s32 s3, s4  }
0x111: {  	s3 =	sshll.u32 s3, $0xD  }
0x112: {  	s7 =	sshll.u32 s7, $0x17;
	s3 =	sand.u32 $0xFFFF0000, s3  }
0x113: {  	s22 =	sand.u32 $0x200, s22;
	s1 =	sadd.s32 s7, s3  }
0x114: {  	s1 =	sor.u32 s22, s1  }
0x115: {  	s24 =	rddreg [dreg:$0x2];
	s1 =	sshrl.u32 s1, $0x3  }
0x116: {  	s3 =	simm.s32 $0x100;
	s1 =	sadd.s32 s24, s1;
	s24 =	simm.s32 $0x15000  }
0x117: {  	[hbm4b:s1+s3] =	stream.strided.scatter [tilespmem:s24], [sflag:$0x5], $0x4000, s0, s3, $0x38;
	[tilespmem:$0x1D000] =	vst v63  }
0x118: {  	_ =	swait.ge [sflag:s25], $0x4000  }
0x119: {  	[sflag:s25] =	ssyncset.done $0x0  }
0x11a: {  	[sflag:s25] =	ssyncadd.s32 $0xFFFFC000  }
0x11b: {  	_ =	swait.ge [sflag:s26], $0x4000  }
0x11c: {  	[sflag:s26] =	ssyncset.done $0x0  }
0x11d: {  	s1 =	simm.s32 @!p1 $0x6;
	[sflag:s26] =	ssyncadd.s32 $0xFFFFC000  }
0x11e: {  	_ =	swait.ge @!p1 [sflag:s1], $0x4000  }
0x11f: {  	[sflag:s1] =	ssyncset.done @!p1 $0x0  }
0x120: {  	s24 =	simm.s32 $0x0;
	[sflag:s1] =	ssyncadd.s32 @!p1 $0xFFFFC000  }
0x121: {  	v2 =	vld [tilespmem:s24+$0x9070]  }
0x122: {  	v3 =	vld [tilespmem:s24+$0x11070]  }
0x123: {  	v4 =	vld [tilespmem:s24+$0x9000]  }
0x124: {  	v5 =	vld [tilespmem:s24+$0x11000]  }
0x125: {  	v6 =	vld [tilespmem:s24+$0x9010]  }
0x126: {  	v7 =	vld [tilespmem:s24+$0x11010]  }
0x127: {  	v8 =	vld [tilespmem:s24+$0x9020]  }
0x128: {  	v63 =	vld [tilespmem:s24+$0x9030]  }
0x129: {  	v2 =	vadd.f32 v3, v2;
	v3 =	vld [tilespmem:s24+$0x11020]  }
0x12a: {  	v10 =	vld [tilespmem:s24+$0x11030]  }
0x12b: {  	v11 =	vld [tilespmem:s24+$0x11040];
	v4 =	vadd.f32 v5, v4  }
0x12c: {  	[tilespmem:s24+$0x19070] =	vst v2;
	v2 =	vadd.f32 v7, v6;
	v7 =	vld [tilespmem:s24+$0x9040]  }
0x12d: {  	v5 =	vld [tilespmem:s24+$0x11050];
	[tilespmem:s24+$0x19000] =	vst v4  }
0x12e: {  	v4 =	vld [tilespmem:s24+$0x9050];
	[tilespmem:s24+$0x19010] =	vst v2;
	v2 =	vadd.f32 v3, v8  }
0x12f: {  	v6 =	vld [tilespmem:s24+$0x11060];
	v8 =	vadd.f32 v10, v63  }
0x130: {  	s2 =	smov.u32 s28;
	s28 =	simm.s32 $0x100;
	[tilespmem:s24+$0x19020] =	vst v2;
	v2 =	vld [tilespmem:s24+$0x9060]  }
0x131: {  	s4 =	ssub.s32 $0x0, s4;
	s3 =	simm.s32 $0x0;
	s1 =	simm.s32 $0x800;
	v7 =	vadd.f32 v11, v7;
	v3 =	vld [tilespmem:s28+$0x9070];
	[tilespmem:s24+$0x19030] =	vst v8  }
.LBB2_7:
0x132: {  	p1 =	sne.s32 s1, $0xFC00;
	v8 =	vld [tilespmem:s28+$0x11070]  }
0x133: {  	v9 =	vld [tilespmem:s28+$0x9000];
	[tilespmem:s3+$0x19040] =	vst v7;
	v4 =	vadd.f32 v5, v4  }
0x134: {  	v5 =	vld [tilespmem:s28+$0x11000]  }
0x135: {  	v7 =	vld [tilespmem:s28+$0x9010];
	[tilespmem:s3+$0x19050] =	vst v4;
	v2 =	vadd.f32 v6, v2  }
0x136: {  	v4 =	vld [tilespmem:s28+$0x11010]  }
0x137: {  	v6 =	vld [tilespmem:s28+$0x9020];
	v3 =	vadd.f32 v8, v3;
	[tilespmem:s3+$0x19060] =	vst v2;
	s3 =	smov.u32 s28  }
0x138: {  	v2 =	vld [tilespmem:s3+$0x11020]  }
0x139: {  	v5 =	vadd.f32 v5, v9;
	v8 =	vld [tilespmem:s3+$0x9030];
	[tilespmem:s3+$0x19070] =	vst v3  }
0x13a: {  	v3 =	vld [tilespmem:s3+$0x11030]  }
0x13b: {  	[tilespmem:s3+$0x19000] =	vst v5;
	v4 =	vadd.f32 v4, v7;
	v7 =	vld [tilespmem:s3+$0x9040]  }
0x13c: {  	v9 =	vld [tilespmem:s3+$0x11040]  }
.Ltmp2:
0x13d: {  	[tilespmem:s3+$0x19010] =	vst v4;
	v2 =	vadd.f32 v2, v6;
	v4 =	vld [tilespmem:s3+$0x9050];
	(pc) =	sbr.rel @p1 .LBB2_7-.Ltmp2, $4  }
0x13e: {  	v5 =	vld [tilespmem:s3+$0x11050]  }
0x13f: {  	[tilespmem:s3+$0x19020] =	vst v2;
	v8 =	vadd.f32 v3, v8;
	v2 =	vld [tilespmem:s3+$0x9060]  }
0x140: {  	s28 =	sshra.s32 s1, $0x2;
	v6 =	vld [tilespmem:s3+$0x11060]  }
0x141: {  	s1 =	sadd.s32 $0x400, s1;
	v3 =	vld [tilespmem:s28+$0x9070];
	[tilespmem:s3+$0x19030] =	vst v8;
	v7 =	vadd.f32 v9, v7  }
0x142: {  	v8 =	vld [tilespmem:s28+$0x11070]  }
0x143: {  	v9 =	vld [tilespmem:s28+$0x9000];
	[tilespmem:s3+$0x19040] =	vst v7;
	v4 =	vadd.f32 v5, v4  }
0x144: {  	v5 =	vld [tilespmem:s28+$0x11000]  }
0x145: {  	v7 =	vld [tilespmem:s28+$0x9010];
	[tilespmem:s3+$0x19050] =	vst v4;
	v2 =	vadd.f32 v6, v2  }
0x146: {  	v4 =	vld [tilespmem:s28+$0x11010]  }
0x147: {  	v6 =	vld [tilespmem:s28+$0x9020];
	[tilespmem:s3+$0x19060] =	vst v2  }
0x148: {  	v2 =	vadd.f32 v8, v3;
	v3 =	vld [tilespmem:s28+$0x11020]  }
0x149: {  	v8 =	vld [tilespmem:s28+$0x9030]  }
0x14a: {  	v62 =	vld [tilespmem:s28+$0x11060];
	v5 =	vadd.f32 v5, v9  }
0x14b: {  	[tilespmem:s28+$0x19070] =	vst v2;
	v2 =	vld [tilespmem:s28+$0x11030]  }
0x14c: {  	[tilespmem:s28+$0x19000] =	vst v5;
	v4 =	vadd.f32 v4, v7;
	v5 =	vld [tilespmem:s28+$0x9040]  }
0x14d: {  	v7 =	vld [tilespmem:s28+$0x11040]  }
0x14e: {  	[tilespmem:s28+$0x19010] =	vst v4;
	v3 =	vadd.f32 v3, v6;
	v4 =	vld [tilespmem:s28+$0x9050]  }
0x14f: {  	v6 =	vld [tilespmem:s28+$0x11050]  }
0x150: {  	[tilespmem:s28+$0x19020] =	vst v3;
	v3 =	vld [tilespmem:s28+$0x9060];
	_ =	sdelay $0x1  }
0x151: {  	v2 =	vadd.f32 v2, v8  }
0x152: {  	v5 =	vadd.f32 v7, v5  }
0x153: {  	[tilespmem:s28+$0x19030] =	vst v2;
	v2 =	vadd.f32 v6, v4  }
0x154: {  	[tilespmem:s28+$0x19040] =	vst v5;
	v3 =	vadd.f32 v62, v3  }
0x155: {  	[tilespmem:s28+$0x19050] =	vst v2  }
0x156: {  	[tilespmem:s28+$0x19060] =	vst v3  }
0x157: {  	v2 =	vld [tilespmem:s24+$0x90F0]  }
0x158: {  	v3 =	vld [tilespmem:s24+$0x110F0]  }
0x159: {  	v4 =	vld [tilespmem:s24+$0x9080]  }
0x15a: {  	v5 =	vld [tilespmem:s24+$0x11080]  }
0x15b: {  	v6 =	vld [tilespmem:s24+$0x9090]  }
0x15c: {  	v7 =	vld [tilespmem:s24+$0x11090]  }
0x15d: {  	v8 =	vld [tilespmem:s24+$0x90A0]  }
0x15e: {  	v63 =	vld [tilespmem:s24+$0x90B0]  }
0x15f: {  	v2 =	vadd.f32 v3, v2;
	v3 =	vld [tilespmem:s24+$0x110A0]  }
0x160: {  	v10 =	vld [tilespmem:s24+$0x110B0]  }
0x161: {  	v11 =	vld [tilespmem:s24+$0x110C0];
	v4 =	vadd.f32 v5, v4  }
0x162: {  	[tilespmem:s24+$0x190F0] =	vst v2;
	v2 =	vadd.f32 v7, v6;
	v7 =	vld [tilespmem:s24+$0x90C0]  }
0x163: {  	v5 =	vld [tilespmem:s24+$0x110D0];
	[tilespmem:s24+$0x19080] =	vst v4  }
0x164: {  	v4 =	vld [tilespmem:s24+$0x90D0];
	[tilespmem:s24+$0x19090] =	vst v2;
	v2 =	vadd.f32 v3, v8  }
0x165: {  	v6 =	vld [tilespmem:s24+$0x110E0];
	v8 =	vadd.f32 v10, v63  }
0x166: {  	s28 =	simm.s32 $0x100;
	[tilespmem:s24+$0x190A0] =	vst v2;
	v2 =	vld [tilespmem:s24+$0x90E0]  }
0x167: {  	s1 =	simm.s32 $0x800;
	v7 =	vadd.f32 v11, v7;
	v3 =	vld [tilespmem:s28+$0x90F0];
	[tilespmem:s24+$0x190B0] =	vst v8  }
.LBB2_9:
0x168: {  	p1 =	sne.s32 s1, $0xFC00;
	v8 =	vld [tilespmem:s28+$0x110F0]  }
0x169: {  	v9 =	vld [tilespmem:s28+$0x9080];
	[tilespmem:s24+$0x190C0] =	vst v7;
	v4 =	vadd.f32 v5, v4  }
0x16a: {  	v5 =	vld [tilespmem:s28+$0x11080]  }
0x16b: {  	v7 =	vld [tilespmem:s28+$0x9090];
	[tilespmem:s24+$0x190D0] =	vst v4;
	v2 =	vadd.f32 v6, v2  }
0x16c: {  	v4 =	vld [tilespmem:s28+$0x11090]  }
0x16d: {  	v6 =	vld [tilespmem:s28+$0x90A0];
	v3 =	vadd.f32 v8, v3;
	[tilespmem:s24+$0x190E0] =	vst v2;
	s24 =	smov.u32 s28  }
0x16e: {  	v2 =	vld [tilespmem:s24+$0x110A0]  }
0x16f: {  	v5 =	vadd.f32 v5, v9;
	v8 =	vld [tilespmem:s24+$0x90B0];
	[tilespmem:s24+$0x190F0] =	vst v3  }
0x170: {  	v3 =	vld [tilespmem:s24+$0x110B0]  }
0x171: {  	[tilespmem:s24+$0x19080] =	vst v5;
	v4 =	vadd.f32 v4, v7;
	v7 =	vld [tilespmem:s24+$0x90C0]  }
0x172: {  	v9 =	vld [tilespmem:s24+$0x110C0]  }
.Ltmp3:
0x173: {  	[tilespmem:s24+$0x19090] =	vst v4;
	v2 =	vadd.f32 v2, v6;
	v4 =	vld [tilespmem:s24+$0x90D0];
	(pc) =	sbr.rel @p1 .LBB2_9-.Ltmp3, $4  }
0x174: {  	v5 =	vld [tilespmem:s24+$0x110D0]  }
0x175: {  	[tilespmem:s24+$0x190A0] =	vst v2;
	v8 =	vadd.f32 v3, v8;
	v2 =	vld [tilespmem:s24+$0x90E0]  }
0x176: {  	s28 =	sshra.s32 s1, $0x2;
	v6 =	vld [tilespmem:s24+$0x110E0]  }
0x177: {  	s1 =	sadd.s32 $0x400, s1;
	v3 =	vld [tilespmem:s28+$0x90F0];
	[tilespmem:s24+$0x190B0] =	vst v8;
	v7 =	vadd.f32 v9, v7  }
0x178: {  	v8 =	vld [tilespmem:s28+$0x110F0]  }
0x179: {  	v9 =	vld [tilespmem:s28+$0x9080];
	[tilespmem:s24+$0x190C0] =	vst v7;
	v4 =	vadd.f32 v5, v4  }
0x17a: {  	v56 =	vld [tilespmem:s28+$0x11080]  }
0x17b: {  	v7 =	vld [tilespmem:s28+$0x9090];
	[tilespmem:s24+$0x190D0] =	vst v4;
	v2 =	vadd.f32 v6, v2  }
0x17c: {  	v4 =	vld [tilespmem:s28+$0x11090]  }
0x17d: {  	v57 =	vld [tilespmem:s28+$0x90A0];
	[tilespmem:s24+$0x190E0] =	vst v2  }
0x17e: {  	v2 =	vadd.f32 v8, v3;
	v3 =	vld [tilespmem:s28+$0x110A0]  }
0x17f: {  	v58 =	vld [tilespmem:s28+$0x90B0]  }
0x180: {  	v59 =	vld [tilespmem:s28+$0x90C0]  }
0x181: {  	v60 =	vld [tilespmem:s28+$0x110C0]  }
0x182: {  	v61 =	vld [tilespmem:s28+$0x90D0]  }
0x183: {  	[tilespmem:s28+$0x190F0] =	vst v2;
	v2 =	vld [tilespmem:s28+$0x110B0]  }
0x184: {  	v62 =	vld [tilespmem:s28+$0x110D0];
	v3 =	vadd.f32 v3, v57  }
0x185: {  	v63 =	vld [tilespmem:s28+$0x110E0]  }
0x186: {  	v5 =	vadd.f32 v56, v9;
	[tilespmem:s28+$0x190A0] =	vst v3;
	v3 =	vld [tilespmem:s28+$0x90E0]  }
0x187: {  	v4 =	vadd.f32 v4, v7  }
0x188: {  	[tilespmem:s28+$0x19080] =	vst v5;
	v2 =	vadd.f32 v2, v58  }
0x189: {  	[tilespmem:s28+$0x19090] =	vst v4;
	v5 =	vadd.f32 v60, v59  }
0x18a: {  	[tilespmem:s28+$0x190B0] =	vst v2;
	v2 =	vadd.f32 v62, v61  }
0x18b: {  	[tilespmem:s28+$0x190C0] =	vst v5;
	v3 =	vadd.f32 v63, v3  }
0x18c: {  	[tilespmem:s28+$0x190D0] =	vst v2  }
0x18d: {  	[tilespmem:s28+$0x190E0] =	vst v3  }
0x18e: {  	v2 =	vld.msk @!p0 [tilespmem:s29+$0x90], $0x3;
	_ =	sdelay $0x4  }
0x18f: {  	v3 =	vshll.u32 @!p0 v2, $0x6  }
0x190: {  	v4 =	vlaneseq.u32 @!p0;
	v2 =	vand.u32 @!p0 $0x7, v2;
	v3 =	vand.u32 @!p0 $0xFFFFFE00, v3  }
0x191: {  	v2 =	vor.u32 @!p0 v2, v3;
	v3 =	vand.u32 @!p0 $0x1, v4;
	v4 =	vshrl.u32 @!p0 v4, $0x1  }
0x192: {  	v2 =	vperm.xlane @!p0 v2, v3;
	v4 =	vmul.u32 @!p0 $0x8, v4;
	_ =	sdelay $0x1  }
0x193: {  	v2 =	vadd.s32 @!p0 v4, v2;
	_ =	sdelay $0x3  }
0x194: {  	s1 =	simm.s32 @!p0 $0x0;
	s3 =	simm.s32 @!p0 $0x9000  }
0x195: {  	[tilespmem:s3], [sflag:$0x2] =	stream.indirect_vreg.gather @!p0 [hbm4b:s2+s1], $0x80, v2, vm1, $0xb8;
	[tilespmem:$0x1D000] =	vst v63  }
0x196: {  	s3 =	simm.s32 @!p0 $0x9800  }
0x197: {  	[tilespmem:s3], [sflag:$0x2] =	stream.indirect_vreg.gather @!p0 [hbm4b:s8+s1], $0x80, v2, vm1, $0xb8;
	[tilespmem:$0x1D000] =	vst v63  }
0x198: {  	s3 =	simm.s32 @!p0 $0xA000  }
0x199: {  	[tilespmem:s3], [sflag:$0x2] =	stream.indirect_vreg.gather @!p0 [hbm4b:s9+s1], $0x80, v2, vm1, $0xb8;
	[tilespmem:$0x1D000] =	vst v63  }
0x19a: {  	s3 =	simm.s32 @!p0 $0xA800  }
0x19b: {  	[tilespmem:s3], [sflag:$0x2] =	stream.indirect_vreg.gather @!p0 [hbm4b:s10+s1], $0x80, v2, vm1, $0xb8;
	[tilespmem:$0x1D000] =	vst v63  }
0x19c: {  	s3 =	simm.s32 @!p0 $0xB000  }
0x19d: {  	[tilespmem:s3], [sflag:$0x2] =	stream.indirect_vreg.gather @!p0 [hbm4b:s11+s1], $0x80, v2, vm1, $0xb8;
	[tilespmem:$0x1D000] =	vst v63  }
0x19e: {  	s3 =	simm.s32 @!p0 $0xB800  }
0x19f: {  	[tilespmem:s3], [sflag:$0x2] =	stream.indirect_vreg.gather @!p0 [hbm4b:s12+s1], $0x80, v2, vm1, $0xb8;
	[tilespmem:$0x1D000] =	vst v63  }
0x1a0: {  	s3 =	simm.s32 @!p0 $0xC000  }
0x1a1: {  	[tilespmem:s3], [sflag:$0x2] =	stream.indirect_vreg.gather @!p0 [hbm4b:s13+s1], $0x80, v2, vm1, $0xb8;
	[tilespmem:$0x1D000] =	vst v63  }
0x1a2: {  	s3 =	simm.s32 @!p0 $0xC800  }
0x1a3: {  	[tilespmem:s3], [sflag:$0x2] =	stream.indirect_vreg.gather @!p0 [hbm4b:s14+s1], $0x80, v2, vm1, $0xb8;
	[tilespmem:$0x1D000] =	vst v63  }
0x1a4: {  	v2 =	vld.msk @!p0 [tilespmem:s29+$0x98], $0x3;
	_ =	sdelay $0x4  }
0x1a5: {  	v5 =	vshll.u32 @!p0 v2, $0x6  }
0x1a6: {  	v2 =	vand.u32 @!p0 $0x7, v2;
	v5 =	vand.u32 @!p0 $0xFFFFFE00, v5  }
0x1a7: {  	v2 =	vor.u32 @!p0 v2, v5  }
0x1a8: {  	v2 =	vperm.xlane @!p0 v2, v3;
	_ =	sdelay $0x1  }
0x1a9: {  	v2 =	vadd.s32 @!p0 v4, v2;
	_ =	sdelay $0x3  }
0x1aa: {  	s3 =	simm.s32 @!p0 $0x11000  }
0x1ab: {  	[tilespmem:s3], [sflag:$0x4] =	stream.indirect_vreg.gather @!p0 [hbm4b:s5+s1], $0x80, v2, vm1, $0xb8;
	[tilespmem:$0x1D000] =	vst v63  }
0x1ac: {  	s3 =	simm.s32 @!p0 $0x11800  }
0x1ad: {  	[tilespmem:s3], [sflag:$0x4] =	stream.indirect_vreg.gather @!p0 [hbm4b:s15+s1], $0x80, v2, vm1, $0xb8;
	[tilespmem:$0x1D000] =	vst v63  }
0x1ae: {  	s3 =	simm.s32 @!p0 $0x12000  }
0x1af: {  	[tilespmem:s3], [sflag:$0x4] =	stream.indirect_vreg.gather @!p0 [hbm4b:s16+s1], $0x80, v2, vm1, $0xb8;
	[tilespmem:$0x1D000] =	vst v63  }
0x1b0: {  	s3 =	simm.s32 @!p0 $0x12800  }
0x1b1: {  	[tilespmem:s3], [sflag:$0x4] =	stream.indirect_vreg.gather @!p0 [hbm4b:s17+s1], $0x80, v2, vm1, $0xb8;
	[tilespmem:$0x1D000] =	vst v63  }
0x1b2: {  	s3 =	simm.s32 @!p0 $0x13000  }
0x1b3: {  	[tilespmem:s3], [sflag:$0x4] =	stream.indirect_vreg.gather @!p0 [hbm4b:s18+s1], $0x80, v2, vm1, $0xb8;
	[tilespmem:$0x1D000] =	vst v63  }
0x1b4: {  	s3 =	simm.s32 @!p0 $0x13800  }
0x1b5: {  	[tilespmem:s3], [sflag:$0x4] =	stream.indirect_vreg.gather @!p0 [hbm4b:s19+s1], $0x80, v2, vm1, $0xb8;
	[tilespmem:$0x1D000] =	vst v63  }
0x1b6: {  	s3 =	simm.s32 @!p0 $0x14000  }
0x1b7: {  	[tilespmem:s3], [sflag:$0x4] =	stream.indirect_vreg.gather @!p0 [hbm4b:s20+s1], $0x80, v2, vm1, $0xb8;
	[tilespmem:$0x1D000] =	vst v63  }
0x1b8: {  	s3 =	simm.s32 @!p0 $0x14800  }
0x1b9: {  	[tilespmem:s3], [sflag:$0x4] =	stream.indirect_vreg.gather @!p0 [hbm4b:s21+s1], $0x80, v2, vm1, $0xb8;
	[tilespmem:$0x1D000] =	vst v63  }
0x1ba: {  	s3 =	sadd.s32 s6, s4  }
0x1bb: {  	s4 =	sshll.u32 s23, $0xF;
	s1 =	sshll.u32 s3, $0xD  }
0x1bc: {  	s1 =	sadd.s32 s1, s4  }
0x1bd: {  	s23 =	sadd.s32 $0x1, s23;
	s1 =	sand.u32 $0xFFFF0000, s1  }
0x1be: {  	p0 =	sne.s32 s23, $0xA0;
	s1 =	sadd.s32 s7, s1  }
.Ltmp4:
0x1bf: {  	s1 =	sor.u32 s1, s22;
	(pc) =	sbr.rel @p0 .LBB2_2-.Ltmp4, $4  }
0x1c0: {  	s1 =	sor.u32 $0x100, s1  }
0x1c1: {  	s24 =	simm.s32 $0x100;
	s22 =	rddreg [dreg:$0x2];
	s1 =	sshrl.u32 s1, $0x3  }
0x1c2: {  	s28 =	smov.u32 s2;
	s29 =	simm.s32 $0x19000;
	s1 =	sadd.s32 s22, s1  }
0x1c3: {  	[hbm4b:s1+s24] =	stream.strided.scatter [tilespmem:s29], [sflag:$0x6], $0x4000, s0, s24, $0x38;
	[tilespmem:$0x1D000] =	vst v63  }
0x1c4: {  	s1 =	simm.s32 $0x5  }
0x1c5: {  	_ =	swait.ge [sflag:s1], $0x4000  }
0x1c6: {  	[sflag:s1] =	ssyncset.done $0x0  }
0x1c7: {  	s2 =	simm.s32 $0x6;
	[sflag:s1] =	ssyncadd.s32 $0xFFFFC000  }
0x1c8: {  	_ =	swait.ge [sflag:s2], $0x4000  }
0x1c9: {  	s3 =	rddreg [dreg:$0x6]  }
0x1ca: {  	s29 =	rddreg [dreg:$0x5];
	s3 =	sadd.s32 $0x1, s3  }
0x1cb: {  	p0 =	sne.s32 s3, s29  }
.Ltmp5:
0x1cc: {  	_ = 	snop;
	(pc) =	sbr.rel @p0 .LBB2_1-.Ltmp5, $3  }
0x1cd: {  	_ =	sdelay $0x1  }
0x1ce: {  	[sflag:s2] =	ssyncset.done $0x0  }
0x1cf: {  	[sflag:s2] =	ssyncadd.s32 $0xFFFFC000  }
0x1d0: {  	_ =	sfence.sel $0x180000  }
0x1d1: {  	[bflag:$0x0] =	sbarrier.arrive $0xFFFF  }
0x1d2: {  	_ =	strace $0x90000047  }
0x1d3: {  	s0 =	stileid.u32;
	[bflag:$0x2] =	sbarrier.arrive $0xFFFF  }
0x1d4: {  	p0 =	sne.s32 s0, $0x0;
	s0 =	rddreg [dreg:$0x3]  }
0x1d5: {  	s0 =	sadd.s32 @!p0 $0x100000, s0  }
0x1d6: {  	[sflag:s0] =	ssyncadd.tile.s32 @!p0 $0x1;
	_ =	shalt  }
.Lfunc_end2:
_tile_overlayer_lowered:
.L_overlay_start_2:
0x1d7: {  	(tag) =	ssettag $0x2  }
0x1d8: {  	s0 =	rddreg [dreg:$0x0];
	s2 =	stileid.u32  }
0x1d9: {  	s1 =	rddreg [dreg:$0x1];
	p0 =	sne.s32 s2, $0x0  }
0x1da: {  	s3 =	rddreg [dreg:$0x2];
	[bflag:$0x3] =	sbarrier.arrive $0xFFFF;
	s2 =	simm.s32 @!p0 $0x1C07  }
0x1db: {  	[timem:s3], [sflag:s2] =	dma.local @!p0 [hbm:s0], s1  }
0x1dc: {  	s0 =	simm.s32 @!p0 $0x7  }
0x1dd: {  	_ =	swait.ge @!p0 [sflag:s0], s1  }
0x1de: {  	s1 =	ssub.s32 @!p0 $0x0, s1;
	[sflag:s0] =	ssyncset.done @!p0 $0x0  }
0x1df: {  	[sflag:s0] =	ssyncadd.s32 @!p0 s1  }
0x1e0: {  	[bflag:$0x3] =	sbarrier.arrive $0xFFFF  }
0x1e1: {  	_ =	shalt  }

</sc_bundles>
